<compile_context>
chip_gen: v7x
topology: tpu7x:2x2x1
jax: 0.10.2.dev20260603
libtpu: 0.0.44.dev20260713+nightly
codegen_flags: <defaults>
</compile_context>

<pallas_src>
import functools

import jax
import jax.numpy as jnp
from jax.experimental import pallas as pl
from jax.experimental.pallas import tpu as pltpu
from jax.experimental.pallas import tpu_sc as plsc

_EMBED = 64
_NMETA = 16
_CTX = 128
_WIN = 128
_MBLK = 64


def _sc_gather(emb_table, idx2d):
    nwin = idx2d.shape[0]
    n = nwin * _WIN
    mesh = plsc.VectorSubcoreMesh(core_axis_name="c", subcore_axis_name="s")

    @functools.partial(
        pl.kernel,
        out_type=jax.ShapeDtypeStruct((n, _CTX), emb_table.dtype),
        mesh=mesh,
        compiler_params=pltpu.CompilerParams(use_tc_tiling_on_sc=False),
    )
    def gather_kernel(tbl_hbm, idx_hbm, out_hbm):
        def body(i_vmem, o_vmem):
            pltpu.sync_copy(tbl_hbm.at[i_vmem.at[0]],
                            o_vmem.at[pl.ds(0, _WIN)])
            pltpu.sync_copy(tbl_hbm.at[i_vmem.at[1]],
                            o_vmem.at[pl.ds(_WIN, _WIN)])

        pltpu.emit_pipeline(
            body,
            grid=(nwin // 2,),
            in_specs=[
                pl.BlockSpec((2, _WIN), index_map=lambda i: (i, 0))
            ],
            out_specs=[
                pl.BlockSpec((2 * _WIN, _EMBED), index_map=lambda i: (i, 0))
            ],
            core_axis_name=("c", "s"),
            dimension_semantics=(pltpu.PARALLEL,),
        )(idx_hbm, out_hbm)

    return gather_kernel(emb_table, idx2d)


def _tc_body(emb_ref, m8_ref, w1al_ref, w1b8_ref, b1_ref, w2_ref, b2_ref,
             gamma_ref, beta_ref, out_ref):
    p, ns, nm = emb_ref.shape[0], emb_ref.shape[1], emb_ref.shape[2]
    bf = jnp.bfloat16
    rows = p * nm
    lane = jax.lax.broadcasted_iota(jnp.int32, (rows, _CTX), 1)
    m8 = m8_ref[...].reshape(rows, _CTX).astype(bf)
    w1al = w1al_ref[...].astype(bf)
    w2 = w2_ref[...].astype(bf)
    for j in range(ns):
        x = emb_ref[:, j].reshape(rows, _CTX)
        x = jnp.where(lane < _EMBED, x, 0.0).astype(bf)
        h = (
            jnp.dot(x, w1al, preferred_element_type=jnp.float32)
            + jnp.dot(m8, w1b8_ref[j].astype(bf),
                      preferred_element_type=jnp.float32)
            + b1_ref[...]
        )
        h = jnp.maximum(h, 0.0)
        h = jnp.dot(h.astype(bf), w2,
                    preferred_element_type=jnp.float32) + b2_ref[...]
        mean = jnp.mean(h, axis=-1, keepdims=True)
        d = h - mean
        var = jnp.mean(d * d, axis=-1, keepdims=True)
        y = d * jax.lax.rsqrt(var + 1e-5) * gamma_ref[...] + beta_ref[...]
        out_ref[j] = jnp.max(y.reshape(p, nm, _CTX), axis=0)


def _tc_mlp(emb4, m83, w1al, w1b8, b1, w2, b2, gamma, beta):
    p, ns, nm = emb4.shape[0], emb4.shape[1], emb4.shape[2]
    fixed = lambda i: (0, 0)
    return pl.pallas_call(
        _tc_body,
        grid=(nm // _MBLK,),
        in_specs=[
            pl.BlockSpec((p, ns, _MBLK, _CTX), lambda i: (0, 0, i, 0)),
            pl.BlockSpec((p, _MBLK, _CTX), lambda i: (0, i, 0)),
            pl.BlockSpec((_CTX, _CTX), fixed),
            pl.BlockSpec((ns, _CTX, _CTX), lambda i: (0, 0, 0)),
            pl.BlockSpec((1, _CTX), fixed),
            pl.BlockSpec((_CTX, _CTX), fixed),
            pl.BlockSpec((1, _CTX), fixed),
            pl.BlockSpec((1, _CTX), fixed),
            pl.BlockSpec((1, _CTX), fixed),
        ],
        out_specs=pl.BlockSpec((ns, _MBLK, _CTX), lambda i: (0, i, 0)),
        out_shape=jax.ShapeDtypeStruct((ns, nm, _CTX), jnp.float32),
    )(emb4, m83, w1al, w1b8, b1, w2, b2, gamma, beta)


def kernel(pattern_ids, pattern_metadata, emb_table, W1, b1, W2, b2, gamma, beta):
    bsz, p = pattern_ids.shape
    n = bsz * p
    nm = bsz // 8
    ids_g = pattern_ids.T.reshape(p, nm, 8).transpose(0, 2, 1)
    idx2d = ids_g.reshape(n // _WIN, _WIN).astype(jnp.int32)
    embeds = _sc_gather(emb_table, idx2d)
    emb4 = embeds.reshape(p, 8, nm, _CTX)
    m83 = pattern_metadata.transpose(1, 0, 2).reshape(p, nm, 8 * _NMETA)
    w1a = W1[:_EMBED]
    w1b = W1[_EMBED:]
    w1al = jnp.concatenate([w1a, jnp.zeros((_CTX - _EMBED, _CTX), W1.dtype)], axis=0)
    w1b8 = jnp.zeros((8, _CTX, _CTX), W1.dtype)
    for j in range(8):
        w1b8 = w1b8.at[j, j * _NMETA:(j + 1) * _NMETA, :].set(w1b)
    pooled = _tc_mlp(
        emb4, m83, w1al, w1b8,
        b1.reshape(1, _CTX), W2, b2.reshape(1, _CTX),
        gamma.reshape(1, _CTX), beta.reshape(1, _CTX),
    )
    return pooled.transpose(1, 0, 2).reshape(bsz, _CTX)

# --- scband reference (transcript-rebuilt; emitter-appended) ---
"""Pipeline reference for scband-tile-pattern-encoder-69492570849693 (READ-ONLY COPY).

The authoritative reference and input builder live on the scoring server;
editing this copy changes nothing except your own understanding.
"""

import jax, jax.numpy as jnp
import numpy as np

VOCAB = 100000
EMBED = 64
META = 16
CTX = 128
B = 4096
P = 50

def setup_inputs(seed: int = 0) -> dict:
    key = jax.random.key(seed)
    k1, k2, k3, k4, k5, k6, k7 = jax.random.split(key, 7)
    pattern_ids = jax.random.randint(k1, (B, P), 0, VOCAB, dtype=jnp.int64) if jax.config.jax_enable_x64 else jax.random.randint(k1, (B, P), 0, VOCAB, dtype=jnp.int32)
    pattern_metadata = jax.random.normal(k2, (B, P, META), dtype=jnp.float32)
    emb_table = jax.random.normal(k3, (VOCAB, EMBED), dtype=jnp.float32)
    W1 = jax.random.normal(k4, (EMBED + META, CTX), dtype=jnp.float32) * (1.0 / np.sqrt(EMBED + META))
    b1 = jnp.zeros((CTX,), dtype=jnp.float32)
    W2 = jax.random.normal(k5, (CTX, CTX), dtype=jnp.float32) * (1.0 / np.sqrt(CTX))
    b2 = jnp.zeros((CTX,), dtype=jnp.float32)
    gamma = jnp.ones((CTX,), dtype=jnp.float32)
    beta = jnp.zeros((CTX,), dtype=jnp.float32)
    return {"pattern_ids": pattern_ids, "pattern_metadata": pattern_metadata, "emb_table": emb_table, "W1": W1, "b1": b1, "W2": W2, "b2": b2, "gamma": gamma, "beta": beta}

def reference(pattern_ids, pattern_metadata, emb_table, W1, b1, W2, b2, gamma, beta):
    # embedding lookup (gather)
    pattern_embeds = jnp.take(emb_table, pattern_ids, axis=0)  # [B, P, EMBED]
    combined = jnp.concatenate([pattern_embeds, pattern_metadata], axis=-1)  # [B, P, EMBED+META]
    h = jnp.dot(combined, W1) + b1
    h = jax.nn.relu(h)
    # dropout is identity at inference
    h = jnp.dot(h, W2) + b2
    # LayerNorm over last dim
    mean = jnp.mean(h, axis=-1, keepdims=True)
    var = jnp.var(h, axis=-1, keepdims=True)
    h = (h - mean) / jnp.sqrt(var + 1e-5) * gamma + beta
    pooled = jnp.max(h, axis=1)  # [B, CTX]
    return pooled

if __name__ == "__main__":
    import jax
    _d = setup_inputs()
    print(jax.jit(kernel)(*tuple(_d.values())))

</pallas_src>

<mosaic_0001>
#map = affine_map<(d0, d1) -> (0, 0)>
module attributes {stable_mosaic.version = 14 : i64} {
  func.func @gather_kernel(%arg0: i32, %arg1: i32, %arg2: memref<100000x64xf32, #tpu.memory_space<hbm>>, %arg3: memref<1600x128xi32, #tpu.memory_space<hbm>>, %arg4: memref<204800x128xf32, #tpu.memory_space<hbm>>) attributes {dimension_semantics = [#tpu.dimension_semantics<core_parallel>, #tpu.dimension_semantics<subcore_parallel>], iteration_bounds = array<i64: 2, 16>, scalar_prefetch = 0 : i64, scratch_operands = 0 : i64, tpu.core_type = #tpu.core_type<sc_vector_subcore>, window_params = [{transform_indices = #map}, {transform_indices = #map}, {transform_indices = #map}]} {
    %mul3A = arith.constant 1 : i32
    %mul3A_0 = arith.muli %arg1, %mul3A : i32
    %add3A = arith.constant 0 : i32
    %add3A_1 = arith.addi %add3A, %mul3A_0 : i32
    %mul3A_2 = arith.constant 16 : i32
    %mul3A_3 = arith.muli %arg0, %mul3A_2 : i32
    %add3A_4 = arith.addi %add3A_1, %mul3A_3 : i32
    %mul3A_5 = arith.constant 25 : i32
    %mul3A_6 = arith.muli %add3A_4, %mul3A_5 : i32
    "tpu.region"() ({
      %run_scoped3A = memref.alloca() : memref<2x2x128xi32, #tpu.memory_space<vmem>>
      %run_scoped3A_7 = tpu.sem_alloc : memref<2x!tpu.dma_semaphore, #tpu.memory_space<semaphore_mem>>
      %run_scoped3A_8 = memref.alloca() : memref<2x256x64xf32, #tpu.memory_space<vmem>>
      %run_scoped3A_9 = tpu.sem_alloc : memref<2x!tpu.dma_semaphore, #tpu.memory_space<semaphore_mem>>
      %add3A_10 = arith.constant 0 : i32
      %add3A_11 = arith.addi %add3A_10, %mul3A_6 : i32
      %select_n3A = arith.constant true
      %select_n3A_12 = arith.constant 0 : i32
      %select_n3A_13 = arith.constant -1 : i32
      %select_n3A_14 = arith.select %select_n3A, %select_n3A_13, %select_n3A_12 : i32
      %eq3A = arith.constant -1 : i32
      %eq3A_15 = arith.cmpi eq, %select_n3A_14, %eq3A : i32
      %select_n3A_16 = arith.constant 24 : i32
      %select_n3A_17 = arith.select %eq3A_15, %select_n3A_16, %select_n3A_14 : i32
      %add3A_18 = arith.addi %select_n3A_17, %mul3A_6 : i32
      %select_n3A_19 = arith.constant true
      %select_n3A_20 = arith.constant 0 : i32
      %select_n3A_21 = arith.constant 1 : i32
      %select_n3A_22 = arith.select %select_n3A_19, %select_n3A_21, %select_n3A_20 : i32
      %eq3A_23 = arith.constant 25 : i32
      %eq3A_24 = arith.cmpi eq, %select_n3A_22, %eq3A_23 : i32
      %select_n3A_25 = arith.constant 0 : i32
      %select_n3A_26 = arith.select %eq3A_24, %select_n3A_25, %select_n3A_22 : i32
      %add3A_27 = arith.addi %select_n3A_26, %mul3A_6 : i32
      %add3A_28 = arith.constant 1 : i32
      %add3A_29 = arith.addi %select_n3A_26, %add3A_28 : i32
      %select_n3A_30 = arith.constant true
      %select_n3A_31 = arith.select %select_n3A_30, %add3A_29, %select_n3A_26 : i32
      %eq3A_32 = arith.constant 25 : i32
      %eq3A_33 = arith.cmpi eq, %select_n3A_31, %eq3A_32 : i32
      %select_n3A_34 = arith.constant 0 : i32
      %select_n3A_35 = arith.select %eq3A_33, %select_n3A_34, %select_n3A_31 : i32
      %add3A_36 = arith.addi %select_n3A_35, %mul3A_6 : i32
      "tpu.trace_start"() <{level = 10 : i32, message = "ep_initialize_0"}> : () -> ()
      %rem3A = arith.constant 0 : i32
      %rem3A_37 = arith.constant 2 : i32
      %rem3A_38 = arith.remui %rem3A, %rem3A_37 : i32
      %mul3A_39 = arith.constant 2 : i32
      %mul3A_40 = arith.muli %mul3A_39, %add3A_11 : i32
      %dma_start3A = arith.constant 0 : i32
      %dma_start3A_41 = arith.constant 0 : i32
      %dma_start3A_42 = tpu.memref_slice %run_scoped3A[%rem3A_38, %dma_start3A, %dma_start3A_41] : memref<2x2x128xi32, #tpu.memory_space<vmem>> -> memref<1x2x128xi32, #tpu.memory_space<vmem>>
      %dma_start3A_43 = tpu.memref_squeeze %dma_start3A_42 : memref<1x2x128xi32, #tpu.memory_space<vmem>> -> memref<2x128xi32, #tpu.memory_space<vmem>>
      %dma_start3A_44 = arith.constant 0 : i32
      %dma_start3A_45 = tpu.memref_slice %arg3[%mul3A_40, %dma_start3A_44] : memref<1600x128xi32, #tpu.memory_space<hbm>> -> memref<2x128xi32, #tpu.memory_space<hbm>>
      %dma_start3A_46 = tpu.memref_slice %run_scoped3A_7[%rem3A_38] : memref<2x!tpu.dma_semaphore, #tpu.memory_space<semaphore_mem>> -> memref<1x!tpu.dma_semaphore, #tpu.memory_space<semaphore_mem>>
      %dma_start3A_47 = tpu.memref_squeeze %dma_start3A_46 : memref<1x!tpu.dma_semaphore, #tpu.memory_space<semaphore_mem>> -> memref<!tpu.dma_semaphore, #tpu.memory_space<semaphore_mem>>
      %dma_start3A_48 = arith.constant 0 : i32
      %dma_start3A_49 = arith.constant 0 : i32
      %dma_start3A_50 = tpu.memref_slice %run_scoped3A[%rem3A_38, %dma_start3A_48, %dma_start3A_49] : memref<2x2x128xi32, #tpu.memory_space<vmem>> -> memref<1x2x128xi32, #tpu.memory_space<vmem>>
      %dma_start3A_51 = tpu.memref_squeeze %dma_start3A_50 : memref<1x2x128xi32, #tpu.memory_space<vmem>> -> memref<2x128xi32, #tpu.memory_space<vmem>>
      %dma_start3A_52 = arith.constant 0 : i32
      %dma_start3A_53 = tpu.memref_slice %arg3[%mul3A_40, %dma_start3A_52] : memref<1600x128xi32, #tpu.memory_space<hbm>> -> memref<2x128xi32, #tpu.memory_space<hbm>>
      tpu.enqueue_dma source(%dma_start3A_53 : memref<2x128xi32, #tpu.memory_space<hbm>>) target(%dma_start3A_51 : memref<2x128xi32, #tpu.memory_space<vmem>>) target_semaphore(%dma_start3A_47 : memref<!tpu.dma_semaphore, #tpu.memory_space<semaphore_mem>>)
      %add3A_54 = arith.constant 0 : i32
      %add3A_55 = arith.constant 1 : i32
      %add3A_56 = arith.addi %add3A_54, %add3A_55 : i32
      %select_n3A_57 = arith.constant true
      %select_n3A_58 = arith.constant 0 : i32
      %select_n3A_59 = arith.select %select_n3A_57, %add3A_56, %select_n3A_58 : i32
      "tpu.trace_stop"() : () -> ()
      %scan3A = arith.constant 0 : i32
      %scan3A_60 = arith.constant 0 : i32
      %scan3A_61 = arith.constant 0 : i32
      %scan3A_62 = arith.constant 0 : i32
      %scan3A_63 = arith.constant 0 : i32
      %scan3A_64 = arith.constant 25 : i32
      %scan3A_65 = arith.addi %scan3A_63, %scan3A_64 : i32
      %scan3A_66 = arith.constant 1 : i32
      %scan3A_67:5 = scf.for %scan3A_121 = %scan3A_63 to %scan3A_65 step %scan3A_66 iter_args(%scan3A_122 = %select_n3A_59, %scan3A_123 = %scan3A, %scan3A_124 = %scan3A_60, %scan3A_125 = %scan3A_61, %scan3A_126 = %scan3A_62) -> (i32, i32, i32, i32, i32)  : i32 {
        %eq3A_127 = arith.constant 0 : i32
        %eq3A_128 = arith.cmpi eq, %scan3A_121, %eq3A_127 : i32
        %eq3A_129 = arith.constant 24 : i32
        %eq3A_130 = arith.cmpi eq, %scan3A_121, %eq3A_129 : i32
        %add3A_131 = arith.addi %scan3A_126, %mul3A_6 : i32
        %sub3A_132 = arith.constant 1 : i32
        %sub3A_133 = arith.subi %scan3A_126, %sub3A_132 : i32
        %select_n3A_134 = arith.constant true
        %select_n3A_135 = arith.select %select_n3A_134, %sub3A_133, %scan3A_126 : i32
        %eq3A_136 = arith.constant -1 : i32
        %eq3A_137 = arith.cmpi eq, %select_n3A_135, %eq3A_136 : i32
        %select_n3A_138 = arith.constant 24 : i32
        %select_n3A_139 = arith.select %eq3A_137, %select_n3A_138, %select_n3A_135 : i32
        %add3A_140 = arith.addi %select_n3A_139, %mul3A_6 : i32
        %add3A_141 = arith.constant 1 : i32
        %add3A_142 = arith.addi %scan3A_126, %add3A_141 : i32
        %select_n3A_143 = arith.constant true
        %select_n3A_144 = arith.select %select_n3A_143, %add3A_142, %scan3A_126 : i32
        %eq3A_145 = arith.constant 25 : i32
        %eq3A_146 = arith.cmpi eq, %select_n3A_144, %eq3A_145 : i32
        %select_n3A_147 = arith.constant 0 : i32
        %select_n3A_148 = arith.select %eq3A_146, %select_n3A_147, %select_n3A_144 : i32
        %add3A_149 = arith.addi %select_n3A_148, %mul3A_6 : i32
        %add3A_150 = arith.constant 1 : i32
        %add3A_151 = arith.addi %select_n3A_148, %add3A_150 : i32
        %select_n3A_152 = arith.constant true
        %select_n3A_153 = arith.select %select_n3A_152, %add3A_151, %select_n3A_148 : i32
        %eq3A_154 = arith.constant 25 : i32
        %eq3A_155 = arith.cmpi eq, %select_n3A_153, %eq3A_154 : i32
        %select_n3A_156 = arith.constant 0 : i32
        %select_n3A_157 = arith.select %eq3A_155, %select_n3A_156, %select_n3A_153 : i32
        %add3A_158 = arith.addi %select_n3A_157, %mul3A_6 : i32
        %ne3A = arith.cmpi ne, %add3A_131, %add3A_149 : i32
        %or3A = arith.constant false
        %or3A_159 = arith.ori %or3A, %ne3A : i1
        %or3A_160 = arith.constant false
        %or3A_161 = arith.ori %or3A_159, %or3A_160 : i1
        %ge3A = arith.constant 24 : i32
        %ge3A_162 = arith.cmpi sge, %scan3A_121, %ge3A : i32
        %not3A = arith.constant true
        %not3A_163 = arith.xori %ge3A_162, %not3A : i1
        %and3A = arith.andi %or3A_161, %not3A_163 : i1
        %convert_element_type3A = arith.extui %and3A : i1 to i32
        %cond3A = arith.constant 0 : i32
        %cond3A_164 = arith.cmpi ne, %convert_element_type3A, %cond3A : i32
        scf.if %cond3A_164 {
          "tpu.trace_start"() <{level = 10 : i32, message = "ep_copy_in"}> : () -> ()
          %rem3A_275 = arith.constant 2 : i32
          %rem3A_276 = arith.remui %scan3A_122, %rem3A_275 : i32
          %mul3A_277 = arith.constant 2 : i32
          %mul3A_278 = arith.muli %mul3A_277, %add3A_149 : i32
          %dma_start3A_279 = arith.constant 0 : i32
          %dma_start3A_280 = arith.constant 0 : i32
          %dma_start3A_281 = tpu.memref_slice %run_scoped3A[%rem3A_276, %dma_start3A_279, %dma_start3A_280] : memref<2x2x128xi32, #tpu.memory_space<vmem>> -> memref<1x2x128xi32, #tpu.memory_space<vmem>>
          %dma_start3A_282 = tpu.memref_squeeze %dma_start3A_281 : memref<1x2x128xi32, #tpu.memory_space<vmem>> -> memref<2x128xi32, #tpu.memory_space<vmem>>
          %dma_start3A_283 = arith.constant 0 : i32
          %dma_start3A_284 = tpu.memref_slice %arg3[%mul3A_278, %dma_start3A_283] : memref<1600x128xi32, #tpu.memory_space<hbm>> -> memref<2x128xi32, #tpu.memory_space<hbm>>
          %dma_start3A_285 = tpu.memref_slice %run_scoped3A_7[%rem3A_276] : memref<2x!tpu.dma_semaphore, #tpu.memory_space<semaphore_mem>> -> memref<1x!tpu.dma_semaphore, #tpu.memory_space<semaphore_mem>>
          %dma_start3A_286 = tpu.memref_squeeze %dma_start3A_285 : memref<1x!tpu.dma_semaphore, #tpu.memory_space<semaphore_mem>> -> memref<!tpu.dma_semaphore, #tpu.memory_space<semaphore_mem>>
          %dma_start3A_287 = arith.constant 0 : i32
          %dma_start3A_288 = arith.constant 0 : i32
          %dma_start3A_289 = tpu.memref_slice %run_scoped3A[%rem3A_276, %dma_start3A_287, %dma_start3A_288] : memref<2x2x128xi32, #tpu.memory_space<vmem>> -> memref<1x2x128xi32, #tpu.memory_space<vmem>>
          %dma_start3A_290 = tpu.memref_squeeze %dma_start3A_289 : memref<1x2x128xi32, #tpu.memory_space<vmem>> -> memref<2x128xi32, #tpu.memory_space<vmem>>
          %dma_start3A_291 = arith.constant 0 : i32
          %dma_start3A_292 = tpu.memref_slice %arg3[%mul3A_278, %dma_start3A_291] : memref<1600x128xi32, #tpu.memory_space<hbm>> -> memref<2x128xi32, #tpu.memory_space<hbm>>
          tpu.enqueue_dma source(%dma_start3A_292 : memref<2x128xi32, #tpu.memory_space<hbm>>) target(%dma_start3A_290 : memref<2x128xi32, #tpu.memory_space<vmem>>) target_semaphore(%dma_start3A_286 : memref<!tpu.dma_semaphore, #tpu.memory_space<semaphore_mem>>)
          "tpu.trace_stop"() : () -> ()
        } else {
        }
        %and3A_165 = arith.constant true
        %and3A_166 = arith.andi %and3A, %and3A_165 : i1
        %add3A_167 = arith.constant 1 : i32
        %add3A_168 = arith.addi %scan3A_122, %add3A_167 : i32
        %select_n3A_169 = arith.select %and3A_166, %add3A_168, %scan3A_122 : i32
        %ne3A_170 = arith.cmpi ne, %add3A_131, %add3A_149 : i32
        %or3A_171 = arith.constant false
        %or3A_172 = arith.ori %or3A_171, %ne3A_170 : i1
        %or3A_173 = arith.constant false
        %or3A_174 = arith.ori %or3A_172, %or3A_173 : i1
        %ge3A_175 = arith.constant 24 : i32
        %ge3A_176 = arith.cmpi sge, %scan3A_121, %ge3A_175 : i32
        %not3A_177 = arith.constant true
        %not3A_178 = arith.xori %ge3A_176, %not3A_177 : i1
        %and3A_179 = arith.andi %or3A_174, %not3A_178 : i1
        %ne3A_180 = arith.cmpi ne, %add3A_131, %add3A_140 : i32
        %or3A_181 = arith.constant false
        %or3A_182 = arith.ori %or3A_181, %ne3A_180 : i1
        %or3A_183 = arith.constant false
        %or3A_184 = arith.ori %or3A_182, %or3A_183 : i1
        %or3A_185 = arith.ori %or3A_184, %eq3A_128 : i1
        %convert_element_type3A_186 = arith.extui %or3A_185 : i1 to i32
        %cond3A_187 = arith.constant 0 : i32
        %cond3A_188 = arith.cmpi ne, %convert_element_type3A_186, %cond3A_187 : i32
        scf.if %cond3A_188 {
          "tpu.trace_start"() <{level = 10 : i32, message = "ep_wait_in"}> : () -> ()
          %mul3A_275 = arith.constant 2 : i32
          %mul3A_276 = arith.muli %mul3A_275, %add3A_131 : i32
          %rem3A_277 = arith.constant 2 : i32
          %rem3A_278 = arith.remui %scan3A_123, %rem3A_277 : i32
          %dma_wait3A_279 = arith.constant 0 : i32
          %dma_wait3A_280 = arith.constant 0 : i32
          %dma_wait3A_281 = tpu.memref_slice %run_scoped3A[%rem3A_278, %dma_wait3A_279, %dma_wait3A_280] : memref<2x2x128xi32, #tpu.memory_space<vmem>> -> memref<1x2x128xi32, #tpu.memory_space<vmem>>
          %dma_wait3A_282 = tpu.memref_squeeze %dma_wait3A_281 : memref<1x2x128xi32, #tpu.memory_space<vmem>> -> memref<2x128xi32, #tpu.memory_space<vmem>>
          %dma_wait3A_283 = arith.constant 0 : i32
          %dma_wait3A_284 = tpu.memref_slice %arg3[%mul3A_276, %dma_wait3A_283] : memref<1600x128xi32, #tpu.memory_space<hbm>> -> memref<2x128xi32, #tpu.memory_space<hbm>>
          %dma_wait3A_285 = tpu.memref_slice %run_scoped3A_7[%rem3A_278] : memref<2x!tpu.dma_semaphore, #tpu.memory_space<semaphore_mem>> -> memref<1x!tpu.dma_semaphore, #tpu.memory_space<semaphore_mem>>
          %dma_wait3A_286 = tpu.memref_squeeze %dma_wait3A_285 : memref<1x!tpu.dma_semaphore, #tpu.memory_space<semaphore_mem>> -> memref<!tpu.dma_semaphore, #tpu.memory_space<semaphore_mem>>
          %dma_wait3A_287 = arith.constant 0 : i32
          %dma_wait3A_288 = arith.constant 0 : i32
          %dma_wait3A_289 = tpu.memref_slice %run_scoped3A[%rem3A_278, %dma_wait3A_287, %dma_wait3A_288] : memref<2x2x128xi32, #tpu.memory_space<vmem>> -> memref<1x2x128xi32, #tpu.memory_space<vmem>>
          %dma_wait3A_290 = tpu.memref_squeeze %dma_wait3A_289 : memref<1x2x128xi32, #tpu.memory_space<vmem>> -> memref<2x128xi32, #tpu.memory_space<vmem>>
          %dma_wait3A_291 = arith.constant 0 : i32
          %dma_wait3A_292 = tpu.memref_slice %arg3[%mul3A_276, %dma_wait3A_291] : memref<1600x128xi32, #tpu.memory_space<hbm>> -> memref<2x128xi32, #tpu.memory_space<hbm>>
          tpu.wait_dma2 semaphore(%dma_wait3A_286 : memref<!tpu.dma_semaphore, #tpu.memory_space<semaphore_mem>>) src(%dma_wait3A_292 : memref<2x128xi32, #tpu.memory_space<hbm>>) dst(%dma_wait3A_290 : memref<2x128xi32, #tpu.memory_space<vmem>>)
          "tpu.trace_stop"() : () -> ()
        } else {
        }
        %ne3A_189 = arith.cmpi ne, %add3A_131, %add3A_140 : i32
        %or3A_190 = arith.constant false
        %or3A_191 = arith.ori %or3A_190, %ne3A_189 : i1
        %or3A_192 = arith.constant false
        %or3A_193 = arith.ori %or3A_191, %or3A_192 : i1
        %or3A_194 = arith.ori %or3A_193, %eq3A_128 : i1
        %convert_element_type3A_195 = arith.extui %or3A_194 : i1 to i32
        %cond3A_196 = arith.constant 0 : i32
        %cond3A_197 = arith.cmpi ne, %convert_element_type3A_195, %cond3A_196 : i32
        scf.if %cond3A_197 {
        } else {
        }
        %rem3A_198 = arith.constant 2 : i32
        %rem3A_199 = arith.remui %scan3A_123, %rem3A_198 : i32
        %rem3A_200 = arith.constant 2 : i32
        %rem3A_201 = arith.remui %scan3A_124, %rem3A_200 : i32
        %run_scoped3A_202 = arith.constant 0 : i32
        "tpu.trace_start"() <{level = 10 : i32, message = "ep_run_kernel"}> : () -> ()
        "tpu.region"() ({
          %run_scoped3A_275 = tpu.sem_alloc : memref<!tpu.dma_semaphore, #tpu.memory_space<semaphore_mem>>
          %dma_start3A_276 = arith.constant 0 : i32
          %dma_start3A_277 = arith.constant 0 : i32
          %dma_start3A_278 = tpu.memref_slice %run_scoped3A_8[%rem3A_201, %dma_start3A_276, %dma_start3A_277] : memref<2x256x64xf32, #tpu.memory_space<vmem>> -> memref<1x256x64xf32, #tpu.memory_space<vmem>>
          %dma_start3A_279 = tpu.memref_squeeze %dma_start3A_278 : memref<1x256x64xf32, #tpu.memory_space<vmem>> -> memref<256x64xf32, #tpu.memory_space<vmem>>
          %dma_start3A_280 = arith.constant 0 : i32
          %dma_start3A_281 = arith.constant 0 : i32
          %dma_start3A_282 = tpu.memref_slice %dma_start3A_279[%dma_start3A_280, %dma_start3A_281] : memref<256x64xf32, #tpu.memory_space<vmem>> -> memref<128x64xf32, #tpu.memory_space<vmem>>
          %dma_start3A_283 = arith.constant 0 : i32
          %dma_start3A_284 = arith.constant 0 : i32
          %dma_start3A_285 = tpu.memref_slice %run_scoped3A[%rem3A_199, %dma_start3A_283, %dma_start3A_284] : memref<2x2x128xi32, #tpu.memory_space<vmem>> -> memref<1x2x128xi32, #tpu.memory_space<vmem>>
          %dma_start3A_286 = tpu.memref_squeeze %dma_start3A_285 : memref<1x2x128xi32, #tpu.memory_space<vmem>> -> memref<2x128xi32, #tpu.memory_space<vmem>>
          %dma_start3A_287 = arith.constant 0 : i32
          %dma_start3A_288 = tpu.memref_slice %dma_start3A_286[%run_scoped3A_202, %dma_start3A_287] : memref<2x128xi32, #tpu.memory_space<vmem>> -> memref<1x128xi32, #tpu.memory_space<vmem>>
          %dma_start3A_289 = tpu.memref_squeeze %dma_start3A_288 : memref<1x128xi32, #tpu.memory_space<vmem>> -> memref<128xi32, #tpu.memory_space<vmem>>
          %dma_start3A_290 = arith.constant 0 : i32
          %dma_start3A_291 = arith.constant 0 : i32
          %dma_start3A_292 = tpu.memref_slice %arg2[%dma_start3A_290, %dma_start3A_291] : memref<100000x64xf32, #tpu.memory_space<hbm>> -> memref<100000x64xf32, #tpu.memory_space<hbm>>
          tpu.enqueue_indirect_dma source(%dma_start3A_292 : memref<100000x64xf32, #tpu.memory_space<hbm>>) target(%dma_start3A_282 : memref<128x64xf32, #tpu.memory_space<vmem>>) offsets(%dma_start3A_289 : memref<128xi32, #tpu.memory_space<vmem>>) semaphore(%run_scoped3A_275 : memref<!tpu.dma_semaphore, #tpu.memory_space<semaphore_mem>>)
          %dma_wait3A_293 = arith.constant 0 : i32
          %dma_wait3A_294 = arith.constant 0 : i32
          %dma_wait3A_295 = tpu.memref_slice %run_scoped3A_8[%rem3A_201, %dma_wait3A_293, %dma_wait3A_294] : memref<2x256x64xf32, #tpu.memory_space<vmem>> -> memref<1x256x64xf32, #tpu.memory_space<vmem>>
          %dma_wait3A_296 = tpu.memref_squeeze %dma_wait3A_295 : memref<1x256x64xf32, #tpu.memory_space<vmem>> -> memref<256x64xf32, #tpu.memory_space<vmem>>
          %dma_wait3A_297 = arith.constant 0 : i32
          %dma_wait3A_298 = arith.constant 0 : i32
          %dma_wait3A_299 = tpu.memref_slice %dma_wait3A_296[%dma_wait3A_297, %dma_wait3A_298] : memref<256x64xf32, #tpu.memory_space<vmem>> -> memref<128x64xf32, #tpu.memory_space<vmem>>
          %dma_wait3A_300 = arith.constant 0 : i32
          %dma_wait3A_301 = arith.constant 0 : i32
          %dma_wait3A_302 = tpu.memref_slice %run_scoped3A[%rem3A_199, %dma_wait3A_300, %dma_wait3A_301] : memref<2x2x128xi32, #tpu.memory_space<vmem>> -> memref<1x2x128xi32, #tpu.memory_space<vmem>>
          %dma_wait3A_303 = tpu.memref_squeeze %dma_wait3A_302 : memref<1x2x128xi32, #tpu.memory_space<vmem>> -> memref<2x128xi32, #tpu.memory_space<vmem>>
          %dma_wait3A_304 = arith.constant 0 : i32
          %dma_wait3A_305 = tpu.memref_slice %dma_wait3A_303[%run_scoped3A_202, %dma_wait3A_304] : memref<2x128xi32, #tpu.memory_space<vmem>> -> memref<1x128xi32, #tpu.memory_space<vmem>>
          %dma_wait3A_306 = tpu.memref_squeeze %dma_wait3A_305 : memref<1x128xi32, #tpu.memory_space<vmem>> -> memref<128xi32, #tpu.memory_space<vmem>>
          %dma_wait3A_307 = arith.constant 0 : i32
          %dma_wait3A_308 = arith.constant 0 : i32
          %dma_wait3A_309 = tpu.memref_slice %arg2[%dma_wait3A_307, %dma_wait3A_308] : memref<100000x64xf32, #tpu.memory_space<hbm>> -> memref<100000x64xf32, #tpu.memory_space<hbm>>
          tpu.wait_indirect_dma semaphore(%run_scoped3A_275 : memref<!tpu.dma_semaphore, #tpu.memory_space<semaphore_mem>>) src(%dma_wait3A_309 : memref<100000x64xf32, #tpu.memory_space<hbm>>) dst(%dma_wait3A_299 : memref<128x64xf32, #tpu.memory_space<vmem>>)
          tpu.yield
        }) : () -> ()
        %run_scoped3A_203 = arith.constant 1 : i32
        "tpu.region"() ({
          %run_scoped3A_275 = tpu.sem_alloc : memref<!tpu.dma_semaphore, #tpu.memory_space<semaphore_mem>>
          %dma_start3A_276 = arith.constant 0 : i32
          %dma_start3A_277 = arith.constant 0 : i32
          %dma_start3A_278 = tpu.memref_slice %run_scoped3A_8[%rem3A_201, %dma_start3A_276, %dma_start3A_277] : memref<2x256x64xf32, #tpu.memory_space<vmem>> -> memref<1x256x64xf32, #tpu.memory_space<vmem>>
          %dma_start3A_279 = tpu.memref_squeeze %dma_start3A_278 : memref<1x256x64xf32, #tpu.memory_space<vmem>> -> memref<256x64xf32, #tpu.memory_space<vmem>>
          %dma_start3A_280 = arith.constant 128 : i32
          %dma_start3A_281 = arith.constant 0 : i32
          %dma_start3A_282 = tpu.memref_slice %dma_start3A_279[%dma_start3A_280, %dma_start3A_281] : memref<256x64xf32, #tpu.memory_space<vmem>> -> memref<128x64xf32, #tpu.memory_space<vmem>>
          %dma_start3A_283 = arith.constant 0 : i32
          %dma_start3A_284 = arith.constant 0 : i32
          %dma_start3A_285 = tpu.memref_slice %run_scoped3A[%rem3A_199, %dma_start3A_283, %dma_start3A_284] : memref<2x2x128xi32, #tpu.memory_space<vmem>> -> memref<1x2x128xi32, #tpu.memory_space<vmem>>
          %dma_start3A_286 = tpu.memref_squeeze %dma_start3A_285 : memref<1x2x128xi32, #tpu.memory_space<vmem>> -> memref<2x128xi32, #tpu.memory_space<vmem>>
          %dma_start3A_287 = arith.constant 0 : i32
          %dma_start3A_288 = tpu.memref_slice %dma_start3A_286[%run_scoped3A_203, %dma_start3A_287] : memref<2x128xi32, #tpu.memory_space<vmem>> -> memref<1x128xi32, #tpu.memory_space<vmem>>
          %dma_start3A_289 = tpu.memref_squeeze %dma_start3A_288 : memref<1x128xi32, #tpu.memory_space<vmem>> -> memref<128xi32, #tpu.memory_space<vmem>>
          %dma_start3A_290 = arith.constant 0 : i32
          %dma_start3A_291 = arith.constant 0 : i32
          %dma_start3A_292 = tpu.memref_slice %arg2[%dma_start3A_290, %dma_start3A_291] : memref<100000x64xf32, #tpu.memory_space<hbm>> -> memref<100000x64xf32, #tpu.memory_space<hbm>>
          tpu.enqueue_indirect_dma source(%dma_start3A_292 : memref<100000x64xf32, #tpu.memory_space<hbm>>) target(%dma_start3A_282 : memref<128x64xf32, #tpu.memory_space<vmem>>) offsets(%dma_start3A_289 : memref<128xi32, #tpu.memory_space<vmem>>) semaphore(%run_scoped3A_275 : memref<!tpu.dma_semaphore, #tpu.memory_space<semaphore_mem>>)
          %dma_wait3A_293 = arith.constant 0 : i32
          %dma_wait3A_294 = arith.constant 0 : i32
          %dma_wait3A_295 = tpu.memref_slice %run_scoped3A_8[%rem3A_201, %dma_wait3A_293, %dma_wait3A_294] : memref<2x256x64xf32, #tpu.memory_space<vmem>> -> memref<1x256x64xf32, #tpu.memory_space<vmem>>
          %dma_wait3A_296 = tpu.memref_squeeze %dma_wait3A_295 : memref<1x256x64xf32, #tpu.memory_space<vmem>> -> memref<256x64xf32, #tpu.memory_space<vmem>>
          %dma_wait3A_297 = arith.constant 128 : i32
          %dma_wait3A_298 = arith.constant 0 : i32
          %dma_wait3A_299 = tpu.memref_slice %dma_wait3A_296[%dma_wait3A_297, %dma_wait3A_298] : memref<256x64xf32, #tpu.memory_space<vmem>> -> memref<128x64xf32, #tpu.memory_space<vmem>>
          %dma_wait3A_300 = arith.constant 0 : i32
          %dma_wait3A_301 = arith.constant 0 : i32
          %dma_wait3A_302 = tpu.memref_slice %run_scoped3A[%rem3A_199, %dma_wait3A_300, %dma_wait3A_301] : memref<2x2x128xi32, #tpu.memory_space<vmem>> -> memref<1x2x128xi32, #tpu.memory_space<vmem>>
          %dma_wait3A_303 = tpu.memref_squeeze %dma_wait3A_302 : memref<1x2x128xi32, #tpu.memory_space<vmem>> -> memref<2x128xi32, #tpu.memory_space<vmem>>
          %dma_wait3A_304 = arith.constant 0 : i32
          %dma_wait3A_305 = tpu.memref_slice %dma_wait3A_303[%run_scoped3A_203, %dma_wait3A_304] : memref<2x128xi32, #tpu.memory_space<vmem>> -> memref<1x128xi32, #tpu.memory_space<vmem>>
          %dma_wait3A_306 = tpu.memref_squeeze %dma_wait3A_305 : memref<1x128xi32, #tpu.memory_space<vmem>> -> memref<128xi32, #tpu.memory_space<vmem>>
          %dma_wait3A_307 = arith.constant 0 : i32
          %dma_wait3A_308 = arith.constant 0 : i32
          %dma_wait3A_309 = tpu.memref_slice %arg2[%dma_wait3A_307, %dma_wait3A_308] : memref<100000x64xf32, #tpu.memory_space<hbm>> -> memref<100000x64xf32, #tpu.memory_space<hbm>>
          tpu.wait_indirect_dma semaphore(%run_scoped3A_275 : memref<!tpu.dma_semaphore, #tpu.memory_space<semaphore_mem>>) src(%dma_wait3A_309 : memref<100000x64xf32, #tpu.memory_space<hbm>>) dst(%dma_wait3A_299 : memref<128x64xf32, #tpu.memory_space<vmem>>)
          tpu.yield
        }) : () -> ()
        "tpu.trace_stop"() : () -> ()
        %ne3A_204 = arith.cmpi ne, %add3A_131, %add3A_149 : i32
        %or3A_205 = arith.constant false
        %or3A_206 = arith.ori %or3A_205, %ne3A_204 : i1
        %or3A_207 = arith.constant false
        %or3A_208 = arith.ori %or3A_206, %or3A_207 : i1
        %or3A_209 = arith.ori %or3A_208, %eq3A_130 : i1
        %convert_element_type3A_210 = arith.extui %or3A_209 : i1 to i32
        %cond3A_211 = arith.constant 0 : i32
        %cond3A_212 = arith.cmpi ne, %convert_element_type3A_210, %cond3A_211 : i32
        scf.if %cond3A_212 {
        } else {
        }
        %and3A_213 = arith.constant false
        %and3A_214 = arith.andi %or3A_209, %and3A_213 : i1
        %ne3A_215 = arith.cmpi ne, %add3A_131, %add3A_149 : i32
        %or3A_216 = arith.constant false
        %or3A_217 = arith.ori %or3A_216, %ne3A_215 : i1
        %or3A_218 = arith.constant false
        %or3A_219 = arith.ori %or3A_217, %or3A_218 : i1
        %or3A_220 = arith.ori %or3A_219, %eq3A_130 : i1
        %convert_element_type3A_221 = arith.extui %or3A_220 : i1 to i32
        %cond3A_222 = arith.constant 0 : i32
        %cond3A_223 = arith.cmpi ne, %convert_element_type3A_221, %cond3A_222 : i32
        scf.if %cond3A_223 {
          "tpu.trace_start"() <{level = 10 : i32, message = "ep_copy_out"}> : () -> ()
          %rem3A_275 = arith.constant 2 : i32
          %rem3A_276 = arith.remui %scan3A_124, %rem3A_275 : i32
          %mul3A_277 = arith.constant 256 : i32
          %mul3A_278 = arith.muli %mul3A_277, %add3A_131 : i32
          %dma_start3A_279 = arith.constant 0 : i32
          %dma_start3A_280 = arith.constant 0 : i32
          %dma_start3A_281 = tpu.memref_slice %run_scoped3A_8[%rem3A_276, %dma_start3A_279, %dma_start3A_280] : memref<2x256x64xf32, #tpu.memory_space<vmem>> -> memref<1x256x64xf32, #tpu.memory_space<vmem>>
          %dma_start3A_282 = tpu.memref_squeeze %dma_start3A_281 : memref<1x256x64xf32, #tpu.memory_space<vmem>> -> memref<256x64xf32, #tpu.memory_space<vmem>>
          %dma_start3A_283 = arith.constant 0 : i32
          %dma_start3A_284 = tpu.memref_slice %arg4[%mul3A_278, %dma_start3A_283] : memref<204800x128xf32, #tpu.memory_space<hbm>> -> memref<256x64xf32, #tpu.memory_space<hbm>>
          %dma_start3A_285 = tpu.memref_slice %run_scoped3A_9[%rem3A_276] : memref<2x!tpu.dma_semaphore, #tpu.memory_space<semaphore_mem>> -> memref<1x!tpu.dma_semaphore, #tpu.memory_space<semaphore_mem>>
          %dma_start3A_286 = tpu.memref_squeeze %dma_start3A_285 : memref<1x!tpu.dma_semaphore, #tpu.memory_space<semaphore_mem>> -> memref<!tpu.dma_semaphore, #tpu.memory_space<semaphore_mem>>
          %dma_start3A_287 = arith.constant 0 : i32
          %dma_start3A_288 = tpu.memref_slice %arg4[%mul3A_278, %dma_start3A_287] : memref<204800x128xf32, #tpu.memory_space<hbm>> -> memref<256x64xf32, #tpu.memory_space<hbm>>
          %dma_start3A_289 = arith.constant 0 : i32
          %dma_start3A_290 = arith.constant 0 : i32
          %dma_start3A_291 = tpu.memref_slice %run_scoped3A_8[%rem3A_276, %dma_start3A_289, %dma_start3A_290] : memref<2x256x64xf32, #tpu.memory_space<vmem>> -> memref<1x256x64xf32, #tpu.memory_space<vmem>>
          %dma_start3A_292 = tpu.memref_squeeze %dma_start3A_291 : memref<1x256x64xf32, #tpu.memory_space<vmem>> -> memref<256x64xf32, #tpu.memory_space<vmem>>
          tpu.enqueue_dma source(%dma_start3A_292 : memref<256x64xf32, #tpu.memory_space<vmem>>) target(%dma_start3A_288 : memref<256x64xf32, #tpu.memory_space<hbm>>) target_semaphore(%dma_start3A_286 : memref<!tpu.dma_semaphore, #tpu.memory_space<semaphore_mem>>)
          "tpu.trace_stop"() : () -> ()
        } else {
        }
        %and3A_224 = arith.constant true
        %and3A_225 = arith.andi %or3A_220, %and3A_224 : i1
        %add3A_226 = arith.constant 1 : i32
        %add3A_227 = arith.addi %scan3A_124, %add3A_226 : i32
        %select_n3A_228 = arith.select %and3A_225, %add3A_227, %scan3A_124 : i32
        %ne3A_229 = arith.cmpi ne, %add3A_131, %add3A_140 : i32
        %or3A_230 = arith.constant false
        %or3A_231 = arith.ori %or3A_230, %ne3A_229 : i1
        %or3A_232 = arith.constant false
        %or3A_233 = arith.ori %or3A_231, %or3A_232 : i1
        %not3A_234 = arith.constant true
        %not3A_235 = arith.xori %eq3A_128, %not3A_234 : i1
        %and3A_236 = arith.andi %or3A_233, %not3A_235 : i1
        %convert_element_type3A_237 = arith.extui %and3A_236 : i1 to i32
        %cond3A_238 = arith.constant 0 : i32
        %cond3A_239 = arith.cmpi ne, %convert_element_type3A_237, %cond3A_238 : i32
        scf.if %cond3A_239 {
        } else {
        }
        %and3A_240 = arith.constant false
        %and3A_241 = arith.andi %and3A_236, %and3A_240 : i1
        %ne3A_242 = arith.cmpi ne, %add3A_131, %add3A_140 : i32
        %or3A_243 = arith.constant false
        %or3A_244 = arith.ori %or3A_243, %ne3A_242 : i1
        %or3A_245 = arith.constant false
        %or3A_246 = arith.ori %or3A_244, %or3A_245 : i1
        %not3A_247 = arith.constant true
        %not3A_248 = arith.xori %eq3A_128, %not3A_247 : i1
        %and3A_249 = arith.andi %or3A_246, %not3A_248 : i1
        %convert_element_type3A_250 = arith.extui %and3A_249 : i1 to i32
        %cond3A_251 = arith.constant 0 : i32
        %cond3A_252 = arith.cmpi ne, %convert_element_type3A_250, %cond3A_251 : i32
        scf.if %cond3A_252 {
          "tpu.trace_start"() <{level = 10 : i32, message = "ep_wait_out"}> : () -> ()
          %rem3A_275 = arith.constant 2 : i32
          %rem3A_276 = arith.remui %scan3A_125, %rem3A_275 : i32
          %mul3A_277 = arith.constant 256 : i32
          %mul3A_278 = arith.muli %mul3A_277, %add3A_140 : i32
          %dma_wait3A_279 = arith.constant 0 : i32
          %dma_wait3A_280 = arith.constant 0 : i32
          %dma_wait3A_281 = tpu.memref_slice %run_scoped3A_8[%rem3A_276, %dma_wait3A_279, %dma_wait3A_280] : memref<2x256x64xf32, #tpu.memory_space<vmem>> -> memref<1x256x64xf32, #tpu.memory_space<vmem>>
          %dma_wait3A_282 = tpu.memref_squeeze %dma_wait3A_281 : memref<1x256x64xf32, #tpu.memory_space<vmem>> -> memref<256x64xf32, #tpu.memory_space<vmem>>
          %dma_wait3A_283 = arith.constant 0 : i32
          %dma_wait3A_284 = tpu.memref_slice %arg4[%mul3A_278, %dma_wait3A_283] : memref<204800x128xf32, #tpu.memory_space<hbm>> -> memref<256x64xf32, #tpu.memory_space<hbm>>
          %dma_wait3A_285 = tpu.memref_slice %run_scoped3A_9[%rem3A_276] : memref<2x!tpu.dma_semaphore, #tpu.memory_space<semaphore_mem>> -> memref<1x!tpu.dma_semaphore, #tpu.memory_space<semaphore_mem>>
          %dma_wait3A_286 = tpu.memref_squeeze %dma_wait3A_285 : memref<1x!tpu.dma_semaphore, #tpu.memory_space<semaphore_mem>> -> memref<!tpu.dma_semaphore, #tpu.memory_space<semaphore_mem>>
          %dma_wait3A_287 = arith.constant 0 : i32
          %dma_wait3A_288 = tpu.memref_slice %arg4[%mul3A_278, %dma_wait3A_287] : memref<204800x128xf32, #tpu.memory_space<hbm>> -> memref<256x64xf32, #tpu.memory_space<hbm>>
          %dma_wait3A_289 = arith.constant 0 : i32
          %dma_wait3A_290 = arith.constant 0 : i32
          %dma_wait3A_291 = tpu.memref_slice %run_scoped3A_8[%rem3A_276, %dma_wait3A_289, %dma_wait3A_290] : memref<2x256x64xf32, #tpu.memory_space<vmem>> -> memref<1x256x64xf32, #tpu.memory_space<vmem>>
          %dma_wait3A_292 = tpu.memref_squeeze %dma_wait3A_291 : memref<1x256x64xf32, #tpu.memory_space<vmem>> -> memref<256x64xf32, #tpu.memory_space<vmem>>
          tpu.wait_dma2 semaphore(%dma_wait3A_286 : memref<!tpu.dma_semaphore, #tpu.memory_space<semaphore_mem>>) src(%dma_wait3A_292 : memref<256x64xf32, #tpu.memory_space<vmem>>) dst(%dma_wait3A_288 : memref<256x64xf32, #tpu.memory_space<hbm>>)
          "tpu.trace_stop"() : () -> ()
        } else {
        }
        %and3A_253 = arith.constant true
        %and3A_254 = arith.andi %and3A_249, %and3A_253 : i1
        %add3A_255 = arith.constant 1 : i32
        %add3A_256 = arith.addi %scan3A_125, %add3A_255 : i32
        %select_n3A_257 = arith.select %and3A_254, %add3A_256, %scan3A_125 : i32
        %ne3A_258 = arith.cmpi ne, %add3A_131, %add3A_149 : i32
        %or3A_259 = arith.constant false
        %or3A_260 = arith.ori %or3A_259, %ne3A_258 : i1
        %or3A_261 = arith.constant false
        %or3A_262 = arith.ori %or3A_260, %or3A_261 : i1
        %or3A_263 = arith.ori %or3A_262, %eq3A_130 : i1
        %add3A_264 = arith.constant 1 : i32
        %add3A_265 = arith.addi %scan3A_123, %add3A_264 : i32
        %select_n3A_266 = arith.select %or3A_263, %add3A_265, %scan3A_123 : i32
        %add3A_267 = arith.constant 1 : i32
        %add3A_268 = arith.addi %scan3A_126, %add3A_267 : i32
        %select_n3A_269 = arith.constant true
        %select_n3A_270 = arith.select %select_n3A_269, %add3A_268, %scan3A_126 : i32
        %eq3A_271 = arith.constant 25 : i32
        %eq3A_272 = arith.cmpi eq, %select_n3A_270, %eq3A_271 : i32
        %select_n3A_273 = arith.constant 0 : i32
        %select_n3A_274 = arith.select %eq3A_272, %select_n3A_273, %select_n3A_270 : i32
        scf.yield %select_n3A_169, %select_n3A_266, %select_n3A_228, %select_n3A_257, %select_n3A_274 : i32, i32, i32, i32, i32
      }
      %scan3A_68 = arith.constant 25 : i32
      %sub3A = arith.constant 1 : i32
      %sub3A_69 = arith.subi %scan3A_67#4, %sub3A : i32
      %select_n3A_70 = arith.constant true
      %select_n3A_71 = arith.select %select_n3A_70, %sub3A_69, %scan3A_67#4 : i32
      %eq3A_72 = arith.constant -1 : i32
      %eq3A_73 = arith.cmpi eq, %select_n3A_71, %eq3A_72 : i32
      %select_n3A_74 = arith.constant 24 : i32
      %select_n3A_75 = arith.select %eq3A_73, %select_n3A_74, %select_n3A_71 : i32
      %add3A_76 = arith.addi %select_n3A_75, %mul3A_6 : i32
      %sub3A_77 = arith.constant 1 : i32
      %sub3A_78 = arith.subi %select_n3A_75, %sub3A_77 : i32
      %select_n3A_79 = arith.constant true
      %select_n3A_80 = arith.select %select_n3A_79, %sub3A_78, %select_n3A_75 : i32
      %eq3A_81 = arith.constant -1 : i32
      %eq3A_82 = arith.cmpi eq, %select_n3A_80, %eq3A_81 : i32
      %select_n3A_83 = arith.constant 24 : i32
      %select_n3A_84 = arith.select %eq3A_82, %select_n3A_83, %select_n3A_80 : i32
      %add3A_85 = arith.addi %select_n3A_84, %mul3A_6 : i32
      %add3A_86 = arith.constant 1 : i32
      %add3A_87 = arith.addi %select_n3A_75, %add3A_86 : i32
      %select_n3A_88 = arith.constant true
      %select_n3A_89 = arith.select %select_n3A_88, %add3A_87, %select_n3A_75 : i32
      %eq3A_90 = arith.constant 25 : i32
      %eq3A_91 = arith.cmpi eq, %select_n3A_89, %eq3A_90 : i32
      %select_n3A_92 = arith.constant 0 : i32
      %select_n3A_93 = arith.select %eq3A_91, %select_n3A_92, %select_n3A_89 : i32
      %add3A_94 = arith.addi %select_n3A_93, %mul3A_6 : i32
      %add3A_95 = arith.constant 1 : i32
      %add3A_96 = arith.addi %select_n3A_93, %add3A_95 : i32
      %select_n3A_97 = arith.constant true
      %select_n3A_98 = arith.select %select_n3A_97, %add3A_96, %select_n3A_93 : i32
      %eq3A_99 = arith.constant 25 : i32
      %eq3A_100 = arith.cmpi eq, %select_n3A_98, %eq3A_99 : i32
      %select_n3A_101 = arith.constant 0 : i32
      %select_n3A_102 = arith.select %eq3A_100, %select_n3A_101, %select_n3A_98 : i32
      %add3A_103 = arith.addi %select_n3A_102, %mul3A_6 : i32
      "tpu.trace_start"() <{level = 10 : i32, message = "ep_finalize"}> : () -> ()
      %rem3A_104 = arith.constant 2 : i32
      %rem3A_105 = arith.remui %scan3A_67#3, %rem3A_104 : i32
      %mul3A_106 = arith.constant 256 : i32
      %mul3A_107 = arith.muli %mul3A_106, %add3A_76 : i32
      %dma_wait3A = arith.constant 0 : i32
      %dma_wait3A_108 = arith.constant 0 : i32
      %dma_wait3A_109 = tpu.memref_slice %run_scoped3A_8[%rem3A_105, %dma_wait3A, %dma_wait3A_108] : memref<2x256x64xf32, #tpu.memory_space<vmem>> -> memref<1x256x64xf32, #tpu.memory_space<vmem>>
      %dma_wait3A_110 = tpu.memref_squeeze %dma_wait3A_109 : memref<1x256x64xf32, #tpu.memory_space<vmem>> -> memref<256x64xf32, #tpu.memory_space<vmem>>
      %dma_wait3A_111 = arith.constant 0 : i32
      %dma_wait3A_112 = tpu.memref_slice %arg4[%mul3A_107, %dma_wait3A_111] : memref<204800x128xf32, #tpu.memory_space<hbm>> -> memref<256x64xf32, #tpu.memory_space<hbm>>
      %dma_wait3A_113 = tpu.memref_slice %run_scoped3A_9[%rem3A_105] : memref<2x!tpu.dma_semaphore, #tpu.memory_space<semaphore_mem>> -> memref<1x!tpu.dma_semaphore, #tpu.memory_space<semaphore_mem>>
      %dma_wait3A_114 = tpu.memref_squeeze %dma_wait3A_113 : memref<1x!tpu.dma_semaphore, #tpu.memory_space<semaphore_mem>> -> memref<!tpu.dma_semaphore, #tpu.memory_space<semaphore_mem>>
      %dma_wait3A_115 = arith.constant 0 : i32
      %dma_wait3A_116 = tpu.memref_slice %arg4[%mul3A_107, %dma_wait3A_115] : memref<204800x128xf32, #tpu.memory_space<hbm>> -> memref<256x64xf32, #tpu.memory_space<hbm>>
      %dma_wait3A_117 = arith.constant 0 : i32
      %dma_wait3A_118 = arith.constant 0 : i32
      %dma_wait3A_119 = tpu.memref_slice %run_scoped3A_8[%rem3A_105, %dma_wait3A_117, %dma_wait3A_118] : memref<2x256x64xf32, #tpu.memory_space<vmem>> -> memref<1x256x64xf32, #tpu.memory_space<vmem>>
      %dma_wait3A_120 = tpu.memref_squeeze %dma_wait3A_119 : memref<1x256x64xf32, #tpu.memory_space<vmem>> -> memref<256x64xf32, #tpu.memory_space<vmem>>
      tpu.wait_dma2 semaphore(%dma_wait3A_114 : memref<!tpu.dma_semaphore, #tpu.memory_space<semaphore_mem>>) src(%dma_wait3A_120 : memref<256x64xf32, #tpu.memory_space<vmem>>) dst(%dma_wait3A_116 : memref<256x64xf32, #tpu.memory_space<hbm>>)
      "tpu.trace_stop"() : () -> ()
      tpu.yield
    }) : () -> ()
    return
  }
}

module attributes {stable_mosaic.version = 14 : i64} {
  func.func @_tc_body(%arg0: i32, %arg1: memref<50x8x64x128xf32, #tpu.memory_space<vmem>>, %arg2: memref<50x64x128xf32, #tpu.memory_space<vmem>>, %arg3: memref<128x128xf32, #tpu.memory_space<vmem>>, %arg4: memref<8x128x128xf32, #tpu.memory_space<vmem>>, %arg5: memref<1x128xf32, #tpu.memory_space<vmem>>, %arg6: memref<128x128xf32, #tpu.memory_space<vmem>>, %arg7: memref<1x128xf32, #tpu.memory_space<vmem>>, %arg8: memref<1x128xf32, #tpu.memory_space<vmem>>, %arg9: memref<1x128xf32, #tpu.memory_space<vmem>>, %arg10: memref<8x64x128xf32, #tpu.memory_space<vmem>>) attributes {dimension_semantics = [#tpu.dimension_semantics<arbitrary>], iteration_bounds = array<i64: 8>, scalar_prefetch = 0 : i64, scratch_operands = 0 : i64, tpu.core_type = #tpu.core_type<tc>, window_params = [{transform_indices = @transform_0, window_bounds = array<i64: 50, 8, 64, 128>}, {transform_indices = @transform_1, window_bounds = array<i64: 50, 64, 128>}, {pipeline_mode = #tpu.pipeline_mode<synchronous>, transform_indices = @transform_2, window_bounds = array<i64: 128, 128>}, {pipeline_mode = #tpu.pipeline_mode<synchronous>, transform_indices = @transform_3, window_bounds = array<i64: 8, 128, 128>}, {pipeline_mode = #tpu.pipeline_mode<synchronous>, transform_indices = @transform_4, window_bounds = array<i64: 1, 128>}, {pipeline_mode = #tpu.pipeline_mode<synchronous>, transform_indices = @transform_5, window_bounds = array<i64: 128, 128>}, {pipeline_mode = #tpu.pipeline_mode<synchronous>, transform_indices = @transform_6, window_bounds = array<i64: 1, 128>}, {pipeline_mode = #tpu.pipeline_mode<synchronous>, transform_indices = @transform_7, window_bounds = array<i64: 1, 128>}, {pipeline_mode = #tpu.pipeline_mode<synchronous>, transform_indices = @transform_8, window_bounds = array<i64: 1, 128>}, {transform_indices = @transform_9, window_bounds = array<i64: 8, 64, 128>}]} {
    %iota3A = tpu.iota {dimensions = array<i32: 1>} : vector<3200x128xi32>
    %get3A = arith.constant 0 : index
    %get3A_0 = arith.constant 0 : index
    %get3A_1 = arith.constant 0 : index
    %get3A_2 = vector.load %arg2[%get3A, %get3A_0, %get3A_1] : memref<50x64x128xf32, #tpu.memory_space<vmem>>, vector<50x64x128xf32>
    %reshape3A = vector.shape_cast %get3A_2 : vector<50x64x128xf32> to vector<3200x128xf32>
    %convert_element_type3A = arith.truncf %reshape3A : vector<3200x128xf32> to vector<3200x128xbf16>
    %get3A_3 = arith.constant 0 : index
    %get3A_4 = arith.constant 0 : index
    %get3A_5 = vector.load %arg3[%get3A_3, %get3A_4] : memref<128x128xf32, #tpu.memory_space<vmem>>, vector<128x128xf32>
    %convert_element_type3A_6 = arith.truncf %get3A_5 : vector<128x128xf32> to vector<128x128xbf16>
    %get3A_7 = arith.constant 0 : index
    %get3A_8 = arith.constant 0 : index
    %get3A_9 = vector.load %arg6[%get3A_7, %get3A_8] : memref<128x128xf32, #tpu.memory_space<vmem>>, vector<128x128xf32>
    %convert_element_type3A_10 = arith.truncf %get3A_9 : vector<128x128xf32> to vector<128x128xbf16>
    %get3A_11 = arith.constant 0 : index
    %get3A_12 = arith.constant 0 : index
    %get3A_13 = arith.constant 0 : index
    %get3A_14 = arith.constant 0 : index
    %get3A_15 = vector.load %arg1[%get3A_11, %get3A_12, %get3A_13, %get3A_14] : memref<50x8x64x128xf32, #tpu.memory_space<vmem>>, vector<50x1x64x128xf32>
    %get3A_16 = vector.shape_cast %get3A_15 : vector<50x1x64x128xf32> to vector<50x64x128xf32>
    %reshape3A_17 = vector.shape_cast %get3A_16 : vector<50x64x128xf32> to vector<3200x128xf32>
    %lt3A = arith.constant 64 : i32
    %lt3A_18 = vector.broadcast %lt3A : i32 to vector<3200x128xi32>
    %lt3A_19 = arith.cmpi slt, %iota3A, %lt3A_18 : vector<3200x128xi32>
    %jit3A = arith.constant 0.000000e+00 : f32
    %broadcast_in_dim3A = vector.broadcast %jit3A : f32 to vector<3200x128xf32>
    %select_n3A = arith.select %lt3A_19, %reshape3A_17, %broadcast_in_dim3A : vector<3200x128xi1>, vector<3200x128xf32>
    %convert_element_type3A_20 = arith.truncf %select_n3A : vector<3200x128xf32> to vector<3200x128xbf16>
    %dot_general3A = arith.constant dense<0.000000e+00> : vector<3200x128xf32>
    %dot_general3A_21 = tpu.matmul %convert_element_type3A_20, %convert_element_type3A_6, %dot_general3A {dimension_numbers = #tpu.dot_dimension_numbers<[1], [0], [0], [1], [0, 0, 1, 1], [], []>, transpose_lhs_hint = false} : vector<3200x128xbf16>, vector<128x128xbf16>, vector<3200x128xf32> -> vector<3200x128xf32>
    %get3A_22 = arith.constant 0 : index
    %get3A_23 = arith.constant 0 : index
    %get3A_24 = arith.constant 0 : index
    %get3A_25 = vector.load %arg4[%get3A_22, %get3A_23, %get3A_24] : memref<8x128x128xf32, #tpu.memory_space<vmem>>, vector<1x128x128xf32>
    %get3A_26 = vector.shape_cast %get3A_25 : vector<1x128x128xf32> to vector<128x128xf32>
    %convert_element_type3A_27 = arith.truncf %get3A_26 : vector<128x128xf32> to vector<128x128xbf16>
    %dot_general3A_28 = arith.constant dense<0.000000e+00> : vector<3200x128xf32>
    %dot_general3A_29 = tpu.matmul %convert_element_type3A, %convert_element_type3A_27, %dot_general3A_28 {dimension_numbers = #tpu.dot_dimension_numbers<[1], [0], [0], [1], [0, 0, 1, 1], [], []>, transpose_lhs_hint = false} : vector<3200x128xbf16>, vector<128x128xbf16>, vector<3200x128xf32> -> vector<3200x128xf32>
    %add3A = arith.addf %dot_general3A_21, %dot_general3A_29 : vector<3200x128xf32>
    %get3A_30 = arith.constant 0 : index
    %get3A_31 = arith.constant 0 : index
    %get3A_32 = vector.load %arg5[%get3A_30, %get3A_31] : memref<1x128xf32, #tpu.memory_space<vmem>>, vector<1x128xf32>
    %add3A_33 = vector.broadcast %get3A_32 : vector<1x128xf32> to vector<3200x128xf32>
    %add3A_34 = arith.addf %add3A, %add3A_33 : vector<3200x128xf32>
    %max3A = arith.constant 0.000000e+00 : f32
    %max3A_35 = vector.broadcast %max3A : f32 to vector<3200x128xf32>
    %max3A_36 = arith.maximumf %add3A_34, %max3A_35 : vector<3200x128xf32>
    %convert_element_type3A_37 = arith.truncf %max3A_36 : vector<3200x128xf32> to vector<3200x128xbf16>
    %dot_general3A_38 = arith.constant dense<0.000000e+00> : vector<3200x128xf32>
    %dot_general3A_39 = tpu.matmul %convert_element_type3A_37, %convert_element_type3A_10, %dot_general3A_38 {dimension_numbers = #tpu.dot_dimension_numbers<[1], [0], [0], [1], [0, 0, 1, 1], [], []>, transpose_lhs_hint = false} : vector<3200x128xbf16>, vector<128x128xbf16>, vector<3200x128xf32> -> vector<3200x128xf32>
    %get3A_40 = arith.constant 0 : index
    %get3A_41 = arith.constant 0 : index
    %get3A_42 = vector.load %arg7[%get3A_40, %get3A_41] : memref<1x128xf32, #tpu.memory_space<vmem>>, vector<1x128xf32>
    %add3A_43 = vector.broadcast %get3A_42 : vector<1x128xf32> to vector<3200x128xf32>
    %add3A_44 = arith.addf %dot_general3A_39, %add3A_43 : vector<3200x128xf32>
    %reduce_sum3A = arith.constant dense<0.000000e+00> : vector<3200xf32>
    %reduce_sum3A_45 = vector.multi_reduction <add>, %add3A_44, %reduce_sum3A [1] : vector<3200x128xf32> to vector<3200xf32>
    %broadcast_in_dim3A_46 = vector.shape_cast %reduce_sum3A_45 : vector<3200xf32> to vector<3200x1xf32>
    %div3A = arith.constant 1.280000e+02 : f32
    %div3A_47 = vector.broadcast %div3A : f32 to vector<3200x1xf32>
    %div3A_48 = arith.divf %broadcast_in_dim3A_46, %div3A_47 : vector<3200x1xf32>
    %sub3A = vector.broadcast %div3A_48 : vector<3200x1xf32> to vector<3200x128xf32>
    %sub3A_49 = arith.subf %add3A_44, %sub3A : vector<3200x128xf32>
    %mul3A = arith.mulf %sub3A_49, %sub3A_49 : vector<3200x128xf32>
    %reduce_sum3A_50 = arith.constant dense<0.000000e+00> : vector<3200xf32>
    %reduce_sum3A_51 = vector.multi_reduction <add>, %mul3A, %reduce_sum3A_50 [1] : vector<3200x128xf32> to vector<3200xf32>
    %broadcast_in_dim3A_52 = vector.shape_cast %reduce_sum3A_51 : vector<3200xf32> to vector<3200x1xf32>
    %div3A_53 = arith.constant 1.280000e+02 : f32
    %div3A_54 = vector.broadcast %div3A_53 : f32 to vector<3200x1xf32>
    %div3A_55 = arith.divf %broadcast_in_dim3A_52, %div3A_54 : vector<3200x1xf32>
    %add3A_56 = arith.constant 9.99999974E-6 : f32
    %add3A_57 = vector.broadcast %add3A_56 : f32 to vector<3200x1xf32>
    %add3A_58 = arith.addf %div3A_55, %add3A_57 : vector<3200x1xf32>
    %rsqrt3A = math.rsqrt %add3A_58 : vector<3200x1xf32>
    %mul3A_59 = vector.broadcast %rsqrt3A : vector<3200x1xf32> to vector<3200x128xf32>
    %mul3A_60 = arith.mulf %sub3A_49, %mul3A_59 : vector<3200x128xf32>
    %get3A_61 = arith.constant 0 : index
    %get3A_62 = arith.constant 0 : index
    %get3A_63 = vector.load %arg8[%get3A_61, %get3A_62] : memref<1x128xf32, #tpu.memory_space<vmem>>, vector<1x128xf32>
    %mul3A_64 = vector.broadcast %get3A_63 : vector<1x128xf32> to vector<3200x128xf32>
    %mul3A_65 = arith.mulf %mul3A_60, %mul3A_64 : vector<3200x128xf32>
    %get3A_66 = arith.constant 0 : index
    %get3A_67 = arith.constant 0 : index
    %get3A_68 = vector.load %arg9[%get3A_66, %get3A_67] : memref<1x128xf32, #tpu.memory_space<vmem>>, vector<1x128xf32>
    %add3A_69 = vector.broadcast %get3A_68 : vector<1x128xf32> to vector<3200x128xf32>
    %add3A_70 = arith.addf %mul3A_65, %add3A_69 : vector<3200x128xf32>
    %reshape3A_71 = vector.shape_cast %add3A_70 : vector<3200x128xf32> to vector<50x64x128xf32>
    %reduce_max3A = arith.constant dense<0xFF800000> : vector<64x128xf32>
    %reduce_max3A_72 = vector.multi_reduction <maximumf>, %reshape3A_71, %reduce_max3A [0] : vector<50x64x128xf32> to vector<64x128xf32>
    %swap3A = arith.constant 0 : index
    %swap3A_73 = arith.constant 0 : index
    %swap3A_74 = arith.constant 0 : index
    %swap3A_75 = vector.load %arg10[%swap3A, %swap3A_73, %swap3A_74] : memref<8x64x128xf32, #tpu.memory_space<vmem>>, vector<1x64x128xf32>
    %swap3A_76 = vector.shape_cast %swap3A_75 : vector<1x64x128xf32> to vector<64x128xf32>
    %swap3A_77 = vector.shape_cast %reduce_max3A_72 : vector<64x128xf32> to vector<1x64x128xf32>
    tpu.vector_store %arg10[%swap3A, %swap3A_73, %swap3A_74], %swap3A_77 {strides = array<i32>} : memref<8x64x128xf32, #tpu.memory_space<vmem>>, vector<1x64x128xf32>,
    %get3A_78 = arith.constant 0 : index
    %get3A_79 = arith.constant 1 : index
    %get3A_80 = arith.constant 0 : index
    %get3A_81 = arith.constant 0 : index
    %get3A_82 = vector.load %arg1[%get3A_78, %get3A_79, %get3A_80, %get3A_81] : memref<50x8x64x128xf32, #tpu.memory_space<vmem>>, vector<50x1x64x128xf32>
    %get3A_83 = vector.shape_cast %get3A_82 : vector<50x1x64x128xf32> to vector<50x64x128xf32>
    %reshape3A_84 = vector.shape_cast %get3A_83 : vector<50x64x128xf32> to vector<3200x128xf32>
    %lt3A_85 = arith.constant 64 : i32
    %lt3A_86 = vector.broadcast %lt3A_85 : i32 to vector<3200x128xi32>
    %lt3A_87 = arith.cmpi slt, %iota3A, %lt3A_86 : vector<3200x128xi32>
    %jit3A_88 = arith.constant 0.000000e+00 : f32
    %broadcast_in_dim3A_89 = vector.broadcast %jit3A_88 : f32 to vector<3200x128xf32>
    %select_n3A_90 = arith.select %lt3A_87, %reshape3A_84, %broadcast_in_dim3A_89 : vector<3200x128xi1>, vector<3200x128xf32>
    %convert_element_type3A_91 = arith.truncf %select_n3A_90 : vector<3200x128xf32> to vector<3200x128xbf16>
    %dot_general3A_92 = arith.constant dense<0.000000e+00> : vector<3200x128xf32>
    %dot_general3A_93 = tpu.matmul %convert_element_type3A_91, %convert_element_type3A_6, %dot_general3A_92 {dimension_numbers = #tpu.dot_dimension_numbers<[1], [0], [0], [1], [0, 0, 1, 1], [], []>, transpose_lhs_hint = false} : vector<3200x128xbf16>, vector<128x128xbf16>, vector<3200x128xf32> -> vector<3200x128xf32>
    %get3A_94 = arith.constant 1 : index
    %get3A_95 = arith.constant 0 : index
    %get3A_96 = arith.constant 0 : index
    %get3A_97 = vector.load %arg4[%get3A_94, %get3A_95, %get3A_96] : memref<8x128x128xf32, #tpu.memory_space<vmem>>, vector<1x128x128xf32>
    %get3A_98 = vector.shape_cast %get3A_97 : vector<1x128x128xf32> to vector<128x128xf32>
    %convert_element_type3A_99 = arith.truncf %get3A_98 : vector<128x128xf32> to vector<128x128xbf16>
    %dot_general3A_100 = arith.constant dense<0.000000e+00> : vector<3200x128xf32>
    %dot_general3A_101 = tpu.matmul %convert_element_type3A, %convert_element_type3A_99, %dot_general3A_100 {dimension_numbers = #tpu.dot_dimension_numbers<[1], [0], [0], [1], [0, 0, 1, 1], [], []>, transpose_lhs_hint = false} : vector<3200x128xbf16>, vector<128x128xbf16>, vector<3200x128xf32> -> vector<3200x128xf32>
    %add3A_102 = arith.addf %dot_general3A_93, %dot_general3A_101 : vector<3200x128xf32>
    %get3A_103 = arith.constant 0 : index
    %get3A_104 = arith.constant 0 : index
    %get3A_105 = vector.load %arg5[%get3A_103, %get3A_104] : memref<1x128xf32, #tpu.memory_space<vmem>>, vector<1x128xf32>
    %add3A_106 = vector.broadcast %get3A_105 : vector<1x128xf32> to vector<3200x128xf32>
    %add3A_107 = arith.addf %add3A_102, %add3A_106 : vector<3200x128xf32>
    %max3A_108 = arith.constant 0.000000e+00 : f32
    %max3A_109 = vector.broadcast %max3A_108 : f32 to vector<3200x128xf32>
    %max3A_110 = arith.maximumf %add3A_107, %max3A_109 : vector<3200x128xf32>
    %convert_element_type3A_111 = arith.truncf %max3A_110 : vector<3200x128xf32> to vector<3200x128xbf16>
    %dot_general3A_112 = arith.constant dense<0.000000e+00> : vector<3200x128xf32>
    %dot_general3A_113 = tpu.matmul %convert_element_type3A_111, %convert_element_type3A_10, %dot_general3A_112 {dimension_numbers = #tpu.dot_dimension_numbers<[1], [0], [0], [1], [0, 0, 1, 1], [], []>, transpose_lhs_hint = false} : vector<3200x128xbf16>, vector<128x128xbf16>, vector<3200x128xf32> -> vector<3200x128xf32>
    %get3A_114 = arith.constant 0 : index
    %get3A_115 = arith.constant 0 : index
    %get3A_116 = vector.load %arg7[%get3A_114, %get3A_115] : memref<1x128xf32, #tpu.memory_space<vmem>>, vector<1x128xf32>
    %add3A_117 = vector.broadcast %get3A_116 : vector<1x128xf32> to vector<3200x128xf32>
    %add3A_118 = arith.addf %dot_general3A_113, %add3A_117 : vector<3200x128xf32>
    %reduce_sum3A_119 = arith.constant dense<0.000000e+00> : vector<3200xf32>
    %reduce_sum3A_120 = vector.multi_reduction <add>, %add3A_118, %reduce_sum3A_119 [1] : vector<3200x128xf32> to vector<3200xf32>
    %broadcast_in_dim3A_121 = vector.shape_cast %reduce_sum3A_120 : vector<3200xf32> to vector<3200x1xf32>
    %div3A_122 = arith.constant 1.280000e+02 : f32
    %div3A_123 = vector.broadcast %div3A_122 : f32 to vector<3200x1xf32>
    %div3A_124 = arith.divf %broadcast_in_dim3A_121, %div3A_123 : vector<3200x1xf32>
    %sub3A_125 = vector.broadcast %div3A_124 : vector<3200x1xf32> to vector<3200x128xf32>
    %sub3A_126 = arith.subf %add3A_118, %sub3A_125 : vector<3200x128xf32>
    %mul3A_127 = arith.mulf %sub3A_126, %sub3A_126 : vector<3200x128xf32>
    %reduce_sum3A_128 = arith.constant dense<0.000000e+00> : vector<3200xf32>
    %reduce_sum3A_129 = vector.multi_reduction <add>, %mul3A_127, %reduce_sum3A_128 [1] : vector<3200x128xf32> to vector<3200xf32>
    %broadcast_in_dim3A_130 = vector.shape_cast %reduce_sum3A_129 : vector<3200xf32> to vector<3200x1xf32>
    %div3A_131 = arith.constant 1.280000e+02 : f32
    %div3A_132 = vector.broadcast %div3A_131 : f32 to vector<3200x1xf32>
    %div3A_133 = arith.divf %broadcast_in_dim3A_130, %div3A_132 : vector<3200x1xf32>
    %add3A_134 = arith.constant 9.99999974E-6 : f32
    %add3A_135 = vector.broadcast %add3A_134 : f32 to vector<3200x1xf32>
    %add3A_136 = arith.addf %div3A_133, %add3A_135 : vector<3200x1xf32>
    %rsqrt3A_137 = math.rsqrt %add3A_136 : vector<3200x1xf32>
    %mul3A_138 = vector.broadcast %rsqrt3A_137 : vector<3200x1xf32> to vector<3200x128xf32>
    %mul3A_139 = arith.mulf %sub3A_126, %mul3A_138 : vector<3200x128xf32>
    %get3A_140 = arith.constant 0 : index
    %get3A_141 = arith.constant 0 : index
    %get3A_142 = vector.load %arg8[%get3A_140, %get3A_141] : memref<1x128xf32, #tpu.memory_space<vmem>>, vector<1x128xf32>
    %mul3A_143 = vector.broadcast %get3A_142 : vector<1x128xf32> to vector<3200x128xf32>
    %mul3A_144 = arith.mulf %mul3A_139, %mul3A_143 : vector<3200x128xf32>
    %get3A_145 = arith.constant 0 : index
    %get3A_146 = arith.constant 0 : index
    %get3A_147 = vector.load %arg9[%get3A_145, %get3A_146] : memref<1x128xf32, #tpu.memory_space<vmem>>, vector<1x128xf32>
    %add3A_148 = vector.broadcast %get3A_147 : vector<1x128xf32> to vector<3200x128xf32>
    %add3A_149 = arith.addf %mul3A_144, %add3A_148 : vector<3200x128xf32>
    %reshape3A_150 = vector.shape_cast %add3A_149 : vector<3200x128xf32> to vector<50x64x128xf32>
    %reduce_max3A_151 = arith.constant dense<0xFF800000> : vector<64x128xf32>
    %reduce_max3A_152 = vector.multi_reduction <maximumf>, %reshape3A_150, %reduce_max3A_151 [0] : vector<50x64x128xf32> to vector<64x128xf32>
    %swap3A_153 = arith.constant 1 : index
    %swap3A_154 = arith.constant 0 : index
    %swap3A_155 = arith.constant 0 : index
    %swap3A_156 = vector.load %arg10[%swap3A_153, %swap3A_154, %swap3A_155] : memref<8x64x128xf32, #tpu.memory_space<vmem>>, vector<1x64x128xf32>
    %swap3A_157 = vector.shape_cast %swap3A_156 : vector<1x64x128xf32> to vector<64x128xf32>
    %swap3A_158 = vector.shape_cast %reduce_max3A_152 : vector<64x128xf32> to vector<1x64x128xf32>
    tpu.vector_store %arg10[%swap3A_153, %swap3A_154, %swap3A_155], %swap3A_158 {strides = array<i32>} : memref<8x64x128xf32, #tpu.memory_space<vmem>>, vector<1x64x128xf32>,
    %get3A_159 = arith.constant 0 : index
    %get3A_160 = arith.constant 2 : index
    %get3A_161 = arith.constant 0 : index
    %get3A_162 = arith.constant 0 : index
    %get3A_163 = vector.load %arg1[%get3A_159, %get3A_160, %get3A_161, %get3A_162] : memref<50x8x64x128xf32, #tpu.memory_space<vmem>>, vector<50x1x64x128xf32>
    %get3A_164 = vector.shape_cast %get3A_163 : vector<50x1x64x128xf32> to vector<50x64x128xf32>
    %reshape3A_165 = vector.shape_cast %get3A_164 : vector<50x64x128xf32> to vector<3200x128xf32>
    %lt3A_166 = arith.constant 64 : i32
    %lt3A_167 = vector.broadcast %lt3A_166 : i32 to vector<3200x128xi32>
    %lt3A_168 = arith.cmpi slt, %iota3A, %lt3A_167 : vector<3200x128xi32>
    %jit3A_169 = arith.constant 0.000000e+00 : f32
    %broadcast_in_dim3A_170 = vector.broadcast %jit3A_169 : f32 to vector<3200x128xf32>
    %select_n3A_171 = arith.select %lt3A_168, %reshape3A_165, %broadcast_in_dim3A_170 : vector<3200x128xi1>, vector<3200x128xf32>
    %convert_element_type3A_172 = arith.truncf %select_n3A_171 : vector<3200x128xf32> to vector<3200x128xbf16>
    %dot_general3A_173 = arith.constant dense<0.000000e+00> : vector<3200x128xf32>
    %dot_general3A_174 = tpu.matmul %convert_element_type3A_172, %convert_element_type3A_6, %dot_general3A_173 {dimension_numbers = #tpu.dot_dimension_numbers<[1], [0], [0], [1], [0, 0, 1, 1], [], []>, transpose_lhs_hint = false} : vector<3200x128xbf16>, vector<128x128xbf16>, vector<3200x128xf32> -> vector<3200x128xf32>
    %get3A_175 = arith.constant 2 : index
    %get3A_176 = arith.constant 0 : index
    %get3A_177 = arith.constant 0 : index
    %get3A_178 = vector.load %arg4[%get3A_175, %get3A_176, %get3A_177] : memref<8x128x128xf32, #tpu.memory_space<vmem>>, vector<1x128x128xf32>
    %get3A_179 = vector.shape_cast %get3A_178 : vector<1x128x128xf32> to vector<128x128xf32>
    %convert_element_type3A_180 = arith.truncf %get3A_179 : vector<128x128xf32> to vector<128x128xbf16>
    %dot_general3A_181 = arith.constant dense<0.000000e+00> : vector<3200x128xf32>
    %dot_general3A_182 = tpu.matmul %convert_element_type3A, %convert_element_type3A_180, %dot_general3A_181 {dimension_numbers = #tpu.dot_dimension_numbers<[1], [0], [0], [1], [0, 0, 1, 1], [], []>, transpose_lhs_hint = false} : vector<3200x128xbf16>, vector<128x128xbf16>, vector<3200x128xf32> -> vector<3200x128xf32>
    %add3A_183 = arith.addf %dot_general3A_174, %dot_general3A_182 : vector<3200x128xf32>
    %get3A_184 = arith.constant 0 : index
    %get3A_185 = arith.constant 0 : index
    %get3A_186 = vector.load %arg5[%get3A_184, %get3A_185] : memref<1x128xf32, #tpu.memory_space<vmem>>, vector<1x128xf32>
    %add3A_187 = vector.broadcast %get3A_186 : vector<1x128xf32> to vector<3200x128xf32>
    %add3A_188 = arith.addf %add3A_183, %add3A_187 : vector<3200x128xf32>
    %max3A_189 = arith.constant 0.000000e+00 : f32
    %max3A_190 = vector.broadcast %max3A_189 : f32 to vector<3200x128xf32>
    %max3A_191 = arith.maximumf %add3A_188, %max3A_190 : vector<3200x128xf32>
    %convert_element_type3A_192 = arith.truncf %max3A_191 : vector<3200x128xf32> to vector<3200x128xbf16>
    %dot_general3A_193 = arith.constant dense<0.000000e+00> : vector<3200x128xf32>
    %dot_general3A_194 = tpu.matmul %convert_element_type3A_192, %convert_element_type3A_10, %dot_general3A_193 {dimension_numbers = #tpu.dot_dimension_numbers<[1], [0], [0], [1], [0, 0, 1, 1], [], []>, transpose_lhs_hint = false} : vector<3200x128xbf16>, vector<128x128xbf16>, vector<3200x128xf32> -> vector<3200x128xf32>
    %get3A_195 = arith.constant 0 : index
    %get3A_196 = arith.constant 0 : index
    %get3A_197 = vector.load %arg7[%get3A_195, %get3A_196] : memref<1x128xf32, #tpu.memory_space<vmem>>, vector<1x128xf32>
    %add3A_198 = vector.broadcast %get3A_197 : vector<1x128xf32> to vector<3200x128xf32>
    %add3A_199 = arith.addf %dot_general3A_194, %add3A_198 : vector<3200x128xf32>
    %reduce_sum3A_200 = arith.constant dense<0.000000e+00> : vector<3200xf32>
    %reduce_sum3A_201 = vector.multi_reduction <add>, %add3A_199, %reduce_sum3A_200 [1] : vector<3200x128xf32> to vector<3200xf32>
    %broadcast_in_dim3A_202 = vector.shape_cast %reduce_sum3A_201 : vector<3200xf32> to vector<3200x1xf32>
    %div3A_203 = arith.constant 1.280000e+02 : f32
    %div3A_204 = vector.broadcast %div3A_203 : f32 to vector<3200x1xf32>
    %div3A_205 = arith.divf %broadcast_in_dim3A_202, %div3A_204 : vector<3200x1xf32>
    %sub3A_206 = vector.broadcast %div3A_205 : vector<3200x1xf32> to vector<3200x128xf32>
    %sub3A_207 = arith.subf %add3A_199, %sub3A_206 : vector<3200x128xf32>
    %mul3A_208 = arith.mulf %sub3A_207, %sub3A_207 : vector<3200x128xf32>
    %reduce_sum3A_209 = arith.constant dense<0.000000e+00> : vector<3200xf32>
    %reduce_sum3A_210 = vector.multi_reduction <add>, %mul3A_208, %reduce_sum3A_209 [1] : vector<3200x128xf32> to vector<3200xf32>
    %broadcast_in_dim3A_211 = vector.shape_cast %reduce_sum3A_210 : vector<3200xf32> to vector<3200x1xf32>
    %div3A_212 = arith.constant 1.280000e+02 : f32
    %div3A_213 = vector.broadcast %div3A_212 : f32 to vector<3200x1xf32>
    %div3A_214 = arith.divf %broadcast_in_dim3A_211, %div3A_213 : vector<3200x1xf32>
    %add3A_215 = arith.constant 9.99999974E-6 : f32
    %add3A_216 = vector.broadcast %add3A_215 : f32 to vector<3200x1xf32>
    %add3A_217 = arith.addf %div3A_214, %add3A_216 : vector<3200x1xf32>
    %rsqrt3A_218 = math.rsqrt %add3A_217 : vector<3200x1xf32>
    %mul3A_219 = vector.broadcast %rsqrt3A_218 : vector<3200x1xf32> to vector<3200x128xf32>
    %mul3A_220 = arith.mulf %sub3A_207, %mul3A_219 : vector<3200x128xf32>
    %get3A_221 = arith.constant 0 : index
    %get3A_222 = arith.constant 0 : index
    %get3A_223 = vector.load %arg8[%get3A_221, %get3A_222] : memref<1x128xf32, #tpu.memory_space<vmem>>, vector<1x128xf32>
    %mul3A_224 = vector.broadcast %get3A_223 : vector<1x128xf32> to vector<3200x128xf32>
    %mul3A_225 = arith.mulf %mul3A_220, %mul3A_224 : vector<3200x128xf32>
    %get3A_226 = arith.constant 0 : index
    %get3A_227 = arith.constant 0 : index
    %get3A_228 = vector.load %arg9[%get3A_226, %get3A_227] : memref<1x128xf32, #tpu.memory_space<vmem>>, vector<1x128xf32>
    %add3A_229 = vector.broadcast %get3A_228 : vector<1x128xf32> to vector<3200x128xf32>
    %add3A_230 = arith.addf %mul3A_225, %add3A_229 : vector<3200x128xf32>
    %reshape3A_231 = vector.shape_cast %add3A_230 : vector<3200x128xf32> to vector<50x64x128xf32>
    %reduce_max3A_232 = arith.constant dense<0xFF800000> : vector<64x128xf32>
    %reduce_max3A_233 = vector.multi_reduction <maximumf>, %reshape3A_231, %reduce_max3A_232 [0] : vector<50x64x128xf32> to vector<64x128xf32>
    %swap3A_234 = arith.constant 2 : index
    %swap3A_235 = arith.constant 0 : index
    %swap3A_236 = arith.constant 0 : index
    %swap3A_237 = vector.load %arg10[%swap3A_234, %swap3A_235, %swap3A_236] : memref<8x64x128xf32, #tpu.memory_space<vmem>>, vector<1x64x128xf32>
    %swap3A_238 = vector.shape_cast %swap3A_237 : vector<1x64x128xf32> to vector<64x128xf32>
    %swap3A_239 = vector.shape_cast %reduce_max3A_233 : vector<64x128xf32> to vector<1x64x128xf32>
    tpu.vector_store %arg10[%swap3A_234, %swap3A_235, %swap3A_236], %swap3A_239 {strides = array<i32>} : memref<8x64x128xf32, #tpu.memory_space<vmem>>, vector<1x64x128xf32>,
    %get3A_240 = arith.constant 0 : index
    %get3A_241 = arith.constant 3 : index
    %get3A_242 = arith.constant 0 : index
    %get3A_243 = arith.constant 0 : index
    %get3A_244 = vector.load %arg1[%get3A_240, %get3A_241, %get3A_242, %get3A_243] : memref<50x8x64x128xf32, #tpu.memory_space<vmem>>, vector<50x1x64x128xf32>
    %get3A_245 = vector.shape_cast %get3A_244 : vector<50x1x64x128xf32> to vector<50x64x128xf32>
    %reshape3A_246 = vector.shape_cast %get3A_245 : vector<50x64x128xf32> to vector<3200x128xf32>
    %lt3A_247 = arith.constant 64 : i32
    %lt3A_248 = vector.broadcast %lt3A_247 : i32 to vector<3200x128xi32>
    %lt3A_249 = arith.cmpi slt, %iota3A, %lt3A_248 : vector<3200x128xi32>
    %jit3A_250 = arith.constant 0.000000e+00 : f32
    %broadcast_in_dim3A_251 = vector.broadcast %jit3A_250 : f32 to vector<3200x128xf32>
    %select_n3A_252 = arith.select %lt3A_249, %reshape3A_246, %broadcast_in_dim3A_251 : vector<3200x128xi1>, vector<3200x128xf32>
    %convert_element_type3A_253 = arith.truncf %select_n3A_252 : vector<3200x128xf32> to vector<3200x128xbf16>
    %dot_general3A_254 = arith.constant dense<0.000000e+00> : vector<3200x128xf32>
    %dot_general3A_255 = tpu.matmul %convert_element_type3A_253, %convert_element_type3A_6, %dot_general3A_254 {dimension_numbers = #tpu.dot_dimension_numbers<[1], [0], [0], [1], [0, 0, 1, 1], [], []>, transpose_lhs_hint = false} : vector<3200x128xbf16>, vector<128x128xbf16>, vector<3200x128xf32> -> vector<3200x128xf32>
    %get3A_256 = arith.constant 3 : index
    %get3A_257 = arith.constant 0 : index
    %get3A_258 = arith.constant 0 : index
    %get3A_259 = vector.load %arg4[%get3A_256, %get3A_257, %get3A_258] : memref<8x128x128xf32, #tpu.memory_space<vmem>>, vector<1x128x128xf32>
    %get3A_260 = vector.shape_cast %get3A_259 : vector<1x128x128xf32> to vector<128x128xf32>
    %convert_element_type3A_261 = arith.truncf %get3A_260 : vector<128x128xf32> to vector<128x128xbf16>
    %dot_general3A_262 = arith.constant dense<0.000000e+00> : vector<3200x128xf32>
    %dot_general3A_263 = tpu.matmul %convert_element_type3A, %convert_element_type3A_261, %dot_general3A_262 {dimension_numbers = #tpu.dot_dimension_numbers<[1], [0], [0], [1], [0, 0, 1, 1], [], []>, transpose_lhs_hint = false} : vector<3200x128xbf16>, vector<128x128xbf16>, vector<3200x128xf32> -> vector<3200x128xf32>
    %add3A_264 = arith.addf %dot_general3A_255, %dot_general3A_263 : vector<3200x128xf32>
    %get3A_265 = arith.constant 0 : index
    %get3A_266 = arith.constant 0 : index
    %get3A_267 = vector.load %arg5[%get3A_265, %get3A_266] : memref<1x128xf32, #tpu.memory_space<vmem>>, vector<1x128xf32>
    %add3A_268 = vector.broadcast %get3A_267 : vector<1x128xf32> to vector<3200x128xf32>
    %add3A_269 = arith.addf %add3A_264, %add3A_268 : vector<3200x128xf32>
    %max3A_270 = arith.constant 0.000000e+00 : f32
    %max3A_271 = vector.broadcast %max3A_270 : f32 to vector<3200x128xf32>
    %max3A_272 = arith.maximumf %add3A_269, %max3A_271 : vector<3200x128xf32>
    %convert_element_type3A_273 = arith.truncf %max3A_272 : vector<3200x128xf32> to vector<3200x128xbf16>
    %dot_general3A_274 = arith.constant dense<0.000000e+00> : vector<3200x128xf32>
    %dot_general3A_275 = tpu.matmul %convert_element_type3A_273, %convert_element_type3A_10, %dot_general3A_274 {dimension_numbers = #tpu.dot_dimension_numbers<[1], [0], [0], [1], [0, 0, 1, 1], [], []>, transpose_lhs_hint = false} : vector<3200x128xbf16>, vector<128x128xbf16>, vector<3200x128xf32> -> vector<3200x128xf32>
    %get3A_276 = arith.constant 0 : index
    %get3A_277 = arith.constant 0 : index
    %get3A_278 = vector.load %arg7[%get3A_276, %get3A_277] : memref<1x128xf32, #tpu.memory_space<vmem>>, vector<1x128xf32>
    %add3A_279 = vector.broadcast %get3A_278 : vector<1x128xf32> to vector<3200x128xf32>
    %add3A_280 = arith.addf %dot_general3A_275, %add3A_279 : vector<3200x128xf32>
    %reduce_sum3A_281 = arith.constant dense<0.000000e+00> : vector<3200xf32>
    %reduce_sum3A_282 = vector.multi_reduction <add>, %add3A_280, %reduce_sum3A_281 [1] : vector<3200x128xf32> to vector<3200xf32>
    %broadcast_in_dim3A_283 = vector.shape_cast %reduce_sum3A_282 : vector<3200xf32> to vector<3200x1xf32>
    %div3A_284 = arith.constant 1.280000e+02 : f32
    %div3A_285 = vector.broadcast %div3A_284 : f32 to vector<3200x1xf32>
    %div3A_286 = arith.divf %broadcast_in_dim3A_283, %div3A_285 : vector<3200x1xf32>
    %sub3A_287 = vector.broadcast %div3A_286 : vector<3200x1xf32> to vector<3200x128xf32>
    %sub3A_288 = arith.subf %add3A_280, %sub3A_287 : vector<3200x128xf32>
    %mul3A_289 = arith.mulf %sub3A_288, %sub3A_288 : vector<3200x128xf32>
    %reduce_sum3A_290 = arith.constant dense<0.000000e+00> : vector<3200xf32>
    %reduce_sum3A_291 = vector.multi_reduction <add>, %mul3A_289, %reduce_sum3A_290 [1] : vector<3200x128xf32> to vector<3200xf32>
    %broadcast_in_dim3A_292 = vector.shape_cast %reduce_sum3A_291 : vector<3200xf32> to vector<3200x1xf32>
    %div3A_293 = arith.constant 1.280000e+02 : f32
    %div3A_294 = vector.broadcast %div3A_293 : f32 to vector<3200x1xf32>
    %div3A_295 = arith.divf %broadcast_in_dim3A_292, %div3A_294 : vector<3200x1xf32>
    %add3A_296 = arith.constant 9.99999974E-6 : f32
    %add3A_297 = vector.broadcast %add3A_296 : f32 to vector<3200x1xf32>
    %add3A_298 = arith.addf %div3A_295, %add3A_297 : vector<3200x1xf32>
    %rsqrt3A_299 = math.rsqrt %add3A_298 : vector<3200x1xf32>
    %mul3A_300 = vector.broadcast %rsqrt3A_299 : vector<3200x1xf32> to vector<3200x128xf32>
    %mul3A_301 = arith.mulf %sub3A_288, %mul3A_300 : vector<3200x128xf32>
    %get3A_302 = arith.constant 0 : index
    %get3A_303 = arith.constant 0 : index
    %get3A_304 = vector.load %arg8[%get3A_302, %get3A_303] : memref<1x128xf32, #tpu.memory_space<vmem>>, vector<1x128xf32>
    %mul3A_305 = vector.broadcast %get3A_304 : vector<1x128xf32> to vector<3200x128xf32>
    %mul3A_306 = arith.mulf %mul3A_301, %mul3A_305 : vector<3200x128xf32>
    %get3A_307 = arith.constant 0 : index
    %get3A_308 = arith.constant 0 : index
    %get3A_309 = vector.load %arg9[%get3A_307, %get3A_308] : memref<1x128xf32, #tpu.memory_space<vmem>>, vector<1x128xf32>
    %add3A_310 = vector.broadcast %get3A_309 : vector<1x128xf32> to vector<3200x128xf32>
    %add3A_311 = arith.addf %mul3A_306, %add3A_310 : vector<3200x128xf32>
    %reshape3A_312 = vector.shape_cast %add3A_311 : vector<3200x128xf32> to vector<50x64x128xf32>
    %reduce_max3A_313 = arith.constant dense<0xFF800000> : vector<64x128xf32>
    %reduce_max3A_314 = vector.multi_reduction <maximumf>, %reshape3A_312, %reduce_max3A_313 [0] : vector<50x64x128xf32> to vector<64x128xf32>
    %swap3A_315 = arith.constant 3 : index
    %swap3A_316 = arith.constant 0 : index
    %swap3A_317 = arith.constant 0 : index
    %swap3A_318 = vector.load %arg10[%swap3A_315, %swap3A_316, %swap3A_317] : memref<8x64x128xf32, #tpu.memory_space<vmem>>, vector<1x64x128xf32>
    %swap3A_319 = vector.shape_cast %swap3A_318 : vector<1x64x128xf32> to vector<64x128xf32>
    %swap3A_320 = vector.shape_cast %reduce_max3A_314 : vector<64x128xf32> to vector<1x64x128xf32>
    tpu.vector_store %arg10[%swap3A_315, %swap3A_316, %swap3A_317], %swap3A_320 {strides = array<i32>} : memref<8x64x128xf32, #tpu.memory_space<vmem>>, vector<1x64x128xf32>,
    %get3A_321 = arith.constant 0 : index
    %get3A_322 = arith.constant 4 : index
    %get3A_323 = arith.constant 0 : index
    %get3A_324 = arith.constant 0 : index
    %get3A_325 = vector.load %arg1[%get3A_321, %get3A_322, %get3A_323, %get3A_324] : memref<50x8x64x128xf32, #tpu.memory_space<vmem>>, vector<50x1x64x128xf32>
    %get3A_326 = vector.shape_cast %get3A_325 : vector<50x1x64x128xf32> to vector<50x64x128xf32>
    %reshape3A_327 = vector.shape_cast %get3A_326 : vector<50x64x128xf32> to vector<3200x128xf32>
    %lt3A_328 = arith.constant 64 : i32
    %lt3A_329 = vector.broadcast %lt3A_328 : i32 to vector<3200x128xi32>
    %lt3A_330 = arith.cmpi slt, %iota3A, %lt3A_329 : vector<3200x128xi32>
    %jit3A_331 = arith.constant 0.000000e+00 : f32
    %broadcast_in_dim3A_332 = vector.broadcast %jit3A_331 : f32 to vector<3200x128xf32>
    %select_n3A_333 = arith.select %lt3A_330, %reshape3A_327, %broadcast_in_dim3A_332 : vector<3200x128xi1>, vector<3200x128xf32>
    %convert_element_type3A_334 = arith.truncf %select_n3A_333 : vector<3200x128xf32> to vector<3200x128xbf16>
    %dot_general3A_335 = arith.constant dense<0.000000e+00> : vector<3200x128xf32>
    %dot_general3A_336 = tpu.matmul %convert_element_type3A_334, %convert_element_type3A_6, %dot_general3A_335 {dimension_numbers = #tpu.dot_dimension_numbers<[1], [0], [0], [1], [0, 0, 1, 1], [], []>, transpose_lhs_hint = false} : vector<3200x128xbf16>, vector<128x128xbf16>, vector<3200x128xf32> -> vector<3200x128xf32>
    %get3A_337 = arith.constant 4 : index
    %get3A_338 = arith.constant 0 : index
    %get3A_339 = arith.constant 0 : index
    %get3A_340 = vector.load %arg4[%get3A_337, %get3A_338, %get3A_339] : memref<8x128x128xf32, #tpu.memory_space<vmem>>, vector<1x128x128xf32>
    %get3A_341 = vector.shape_cast %get3A_340 : vector<1x128x128xf32> to vector<128x128xf32>
    %convert_element_type3A_342 = arith.truncf %get3A_341 : vector<128x128xf32> to vector<128x128xbf16>
    %dot_general3A_343 = arith.constant dense<0.000000e+00> : vector<3200x128xf32>
    %dot_general3A_344 = tpu.matmul %convert_element_type3A, %convert_element_type3A_342, %dot_general3A_343 {dimension_numbers = #tpu.dot_dimension_numbers<[1], [0], [0], [1], [0, 0, 1, 1], [], []>, transpose_lhs_hint = false} : vector<3200x128xbf16>, vector<128x128xbf16>, vector<3200x128xf32> -> vector<3200x128xf32>
    %add3A_345 = arith.addf %dot_general3A_336, %dot_general3A_344 : vector<3200x128xf32>
    %get3A_346 = arith.constant 0 : index
    %get3A_347 = arith.constant 0 : index
    %get3A_348 = vector.load %arg5[%get3A_346, %get3A_347] : memref<1x128xf32, #tpu.memory_space<vmem>>, vector<1x128xf32>
    %add3A_349 = vector.broadcast %get3A_348 : vector<1x128xf32> to vector<3200x128xf32>
    %add3A_350 = arith.addf %add3A_345, %add3A_349 : vector<3200x128xf32>
    %max3A_351 = arith.constant 0.000000e+00 : f32
    %max3A_352 = vector.broadcast %max3A_351 : f32 to vector<3200x128xf32>
    %max3A_353 = arith.maximumf %add3A_350, %max3A_352 : vector<3200x128xf32>
    %convert_element_type3A_354 = arith.truncf %max3A_353 : vector<3200x128xf32> to vector<3200x128xbf16>
    %dot_general3A_355 = arith.constant dense<0.000000e+00> : vector<3200x128xf32>
    %dot_general3A_356 = tpu.matmul %convert_element_type3A_354, %convert_element_type3A_10, %dot_general3A_355 {dimension_numbers = #tpu.dot_dimension_numbers<[1], [0], [0], [1], [0, 0, 1, 1], [], []>, transpose_lhs_hint = false} : vector<3200x128xbf16>, vector<128x128xbf16>, vector<3200x128xf32> -> vector<3200x128xf32>
    %get3A_357 = arith.constant 0 : index
    %get3A_358 = arith.constant 0 : index
    %get3A_359 = vector.load %arg7[%get3A_357, %get3A_358] : memref<1x128xf32, #tpu.memory_space<vmem>>, vector<1x128xf32>
    %add3A_360 = vector.broadcast %get3A_359 : vector<1x128xf32> to vector<3200x128xf32>
    %add3A_361 = arith.addf %dot_general3A_356, %add3A_360 : vector<3200x128xf32>
    %reduce_sum3A_362 = arith.constant dense<0.000000e+00> : vector<3200xf32>
    %reduce_sum3A_363 = vector.multi_reduction <add>, %add3A_361, %reduce_sum3A_362 [1] : vector<3200x128xf32> to vector<3200xf32>
    %broadcast_in_dim3A_364 = vector.shape_cast %reduce_sum3A_363 : vector<3200xf32> to vector<3200x1xf32>
    %div3A_365 = arith.constant 1.280000e+02 : f32
    %div3A_366 = vector.broadcast %div3A_365 : f32 to vector<3200x1xf32>
    %div3A_367 = arith.divf %broadcast_in_dim3A_364, %div3A_366 : vector<3200x1xf32>
    %sub3A_368 = vector.broadcast %div3A_367 : vector<3200x1xf32> to vector<3200x128xf32>
    %sub3A_369 = arith.subf %add3A_361, %sub3A_368 : vector<3200x128xf32>
    %mul3A_370 = arith.mulf %sub3A_369, %sub3A_369 : vector<3200x128xf32>
    %reduce_sum3A_371 = arith.constant dense<0.000000e+00> : vector<3200xf32>
    %reduce_sum3A_372 = vector.multi_reduction <add>, %mul3A_370, %reduce_sum3A_371 [1] : vector<3200x128xf32> to vector<3200xf32>
    %broadcast_in_dim3A_373 = vector.shape_cast %reduce_sum3A_372 : vector<3200xf32> to vector<3200x1xf32>
    %div3A_374 = arith.constant 1.280000e+02 : f32
    %div3A_375 = vector.broadcast %div3A_374 : f32 to vector<3200x1xf32>
    %div3A_376 = arith.divf %broadcast_in_dim3A_373, %div3A_375 : vector<3200x1xf32>
    %add3A_377 = arith.constant 9.99999974E-6 : f32
    %add3A_378 = vector.broadcast %add3A_377 : f32 to vector<3200x1xf32>
    %add3A_379 = arith.addf %div3A_376, %add3A_378 : vector<3200x1xf32>
    %rsqrt3A_380 = math.rsqrt %add3A_379 : vector<3200x1xf32>
    %mul3A_381 = vector.broadcast %rsqrt3A_380 : vector<3200x1xf32> to vector<3200x128xf32>
    %mul3A_382 = arith.mulf %sub3A_369, %mul3A_381 : vector<3200x128xf32>
    %get3A_383 = arith.constant 0 : index
    %get3A_384 = arith.constant 0 : index
    %get3A_385 = vector.load %arg8[%get3A_383, %get3A_384] : memref<1x128xf32, #tpu.memory_space<vmem>>, vector<1x128xf32>
    %mul3A_386 = vector.broadcast %get3A_385 : vector<1x128xf32> to vector<3200x128xf32>
    %mul3A_387 = arith.mulf %mul3A_382, %mul3A_386 : vector<3200x128xf32>
    %get3A_388 = arith.constant 0 : index
    %get3A_389 = arith.constant 0 : index
    %get3A_390 = vector.load %arg9[%get3A_388, %get3A_389] : memref<1x128xf32, #tpu.memory_space<vmem>>, vector<1x128xf32>
    %add3A_391 = vector.broadcast %get3A_390 : vector<1x128xf32> to vector<3200x128xf32>
    %add3A_392 = arith.addf %mul3A_387, %add3A_391 : vector<3200x128xf32>
    %reshape3A_393 = vector.shape_cast %add3A_392 : vector<3200x128xf32> to vector<50x64x128xf32>
    %reduce_max3A_394 = arith.constant dense<0xFF800000> : vector<64x128xf32>
    %reduce_max3A_395 = vector.multi_reduction <maximumf>, %reshape3A_393, %reduce_max3A_394 [0] : vector<50x64x128xf32> to vector<64x128xf32>
    %swap3A_396 = arith.constant 4 : index
    %swap3A_397 = arith.constant 0 : index
    %swap3A_398 = arith.constant 0 : index
    %swap3A_399 = vector.load %arg10[%swap3A_396, %swap3A_397, %swap3A_398] : memref<8x64x128xf32, #tpu.memory_space<vmem>>, vector<1x64x128xf32>
    %swap3A_400 = vector.shape_cast %swap3A_399 : vector<1x64x128xf32> to vector<64x128xf32>
    %swap3A_401 = vector.shape_cast %reduce_max3A_395 : vector<64x128xf32> to vector<1x64x128xf32>
    tpu.vector_store %arg10[%swap3A_396, %swap3A_397, %swap3A_398], %swap3A_401 {strides = array<i32>} : memref<8x64x128xf32, #tpu.memory_space<vmem>>, vector<1x64x128xf32>,
    %get3A_402 = arith.constant 0 : index
    %get3A_403 = arith.constant 5 : index
    %get3A_404 = arith.constant 0 : index
    %get3A_405 = arith.constant 0 : index
    %get3A_406 = vector.load %arg1[%get3A_402, %get3A_403, %get3A_404, %get3A_405] : memref<50x8x64x128xf32, #tpu.memory_space<vmem>>, vector<50x1x64x128xf32>
    %get3A_407 = vector.shape_cast %get3A_406 : vector<50x1x64x128xf32> to vector<50x64x128xf32>
    %reshape3A_408 = vector.shape_cast %get3A_407 : vector<50x64x128xf32> to vector<3200x128xf32>
    %lt3A_409 = arith.constant 64 : i32
    %lt3A_410 = vector.broadcast %lt3A_409 : i32 to vector<3200x128xi32>
    %lt3A_411 = arith.cmpi slt, %iota3A, %lt3A_410 : vector<3200x128xi32>
    %jit3A_412 = arith.constant 0.000000e+00 : f32
    %broadcast_in_dim3A_413 = vector.broadcast %jit3A_412 : f32 to vector<3200x128xf32>
    %select_n3A_414 = arith.select %lt3A_411, %reshape3A_408, %broadcast_in_dim3A_413 : vector<3200x128xi1>, vector<3200x128xf32>
    %convert_element_type3A_415 = arith.truncf %select_n3A_414 : vector<3200x128xf32> to vector<3200x128xbf16>
    %dot_general3A_416 = arith.constant dense<0.000000e+00> : vector<3200x128xf32>
    %dot_general3A_417 = tpu.matmul %convert_element_type3A_415, %convert_element_type3A_6, %dot_general3A_416 {dimension_numbers = #tpu.dot_dimension_numbers<[1], [0], [0], [1], [0, 0, 1, 1], [], []>, transpose_lhs_hint = false} : vector<3200x128xbf16>, vector<128x128xbf16>, vector<3200x128xf32> -> vector<3200x128xf32>
    %get3A_418 = arith.constant 5 : index
    %get3A_419 = arith.constant 0 : index
    %get3A_420 = arith.constant 0 : index
    %get3A_421 = vector.load %arg4[%get3A_418, %get3A_419, %get3A_420] : memref<8x128x128xf32, #tpu.memory_space<vmem>>, vector<1x128x128xf32>
    %get3A_422 = vector.shape_cast %get3A_421 : vector<1x128x128xf32> to vector<128x128xf32>
    %convert_element_type3A_423 = arith.truncf %get3A_422 : vector<128x128xf32> to vector<128x128xbf16>
    %dot_general3A_424 = arith.constant dense<0.000000e+00> : vector<3200x128xf32>
    %dot_general3A_425 = tpu.matmul %convert_element_type3A, %convert_element_type3A_423, %dot_general3A_424 {dimension_numbers = #tpu.dot_dimension_numbers<[1], [0], [0], [1], [0, 0, 1, 1], [], []>, transpose_lhs_hint = false} : vector<3200x128xbf16>, vector<128x128xbf16>, vector<3200x128xf32> -> vector<3200x128xf32>
    %add3A_426 = arith.addf %dot_general3A_417, %dot_general3A_425 : vector<3200x128xf32>
    %get3A_427 = arith.constant 0 : index
    %get3A_428 = arith.constant 0 : index
    %get3A_429 = vector.load %arg5[%get3A_427, %get3A_428] : memref<1x128xf32, #tpu.memory_space<vmem>>, vector<1x128xf32>
    %add3A_430 = vector.broadcast %get3A_429 : vector<1x128xf32> to vector<3200x128xf32>
    %add3A_431 = arith.addf %add3A_426, %add3A_430 : vector<3200x128xf32>
    %max3A_432 = arith.constant 0.000000e+00 : f32
    %max3A_433 = vector.broadcast %max3A_432 : f32 to vector<3200x128xf32>
    %max3A_434 = arith.maximumf %add3A_431, %max3A_433 : vector<3200x128xf32>
    %convert_element_type3A_435 = arith.truncf %max3A_434 : vector<3200x128xf32> to vector<3200x128xbf16>
    %dot_general3A_436 = arith.constant dense<0.000000e+00> : vector<3200x128xf32>
    %dot_general3A_437 = tpu.matmul %convert_element_type3A_435, %convert_element_type3A_10, %dot_general3A_436 {dimension_numbers = #tpu.dot_dimension_numbers<[1], [0], [0], [1], [0, 0, 1, 1], [], []>, transpose_lhs_hint = false} : vector<3200x128xbf16>, vector<128x128xbf16>, vector<3200x128xf32> -> vector<3200x128xf32>
    %get3A_438 = arith.constant 0 : index
    %get3A_439 = arith.constant 0 : index
    %get3A_440 = vector.load %arg7[%get3A_438, %get3A_439] : memref<1x128xf32, #tpu.memory_space<vmem>>, vector<1x128xf32>
    %add3A_441 = vector.broadcast %get3A_440 : vector<1x128xf32> to vector<3200x128xf32>
    %add3A_442 = arith.addf %dot_general3A_437, %add3A_441 : vector<3200x128xf32>
    %reduce_sum3A_443 = arith.constant dense<0.000000e+00> : vector<3200xf32>
    %reduce_sum3A_444 = vector.multi_reduction <add>, %add3A_442, %reduce_sum3A_443 [1] : vector<3200x128xf32> to vector<3200xf32>
    %broadcast_in_dim3A_445 = vector.shape_cast %reduce_sum3A_444 : vector<3200xf32> to vector<3200x1xf32>
    %div3A_446 = arith.constant 1.280000e+02 : f32
    %div3A_447 = vector.broadcast %div3A_446 : f32 to vector<3200x1xf32>
    %div3A_448 = arith.divf %broadcast_in_dim3A_445, %div3A_447 : vector<3200x1xf32>
    %sub3A_449 = vector.broadcast %div3A_448 : vector<3200x1xf32> to vector<3200x128xf32>
    %sub3A_450 = arith.subf %add3A_442, %sub3A_449 : vector<3200x128xf32>
    %mul3A_451 = arith.mulf %sub3A_450, %sub3A_450 : vector<3200x128xf32>
    %reduce_sum3A_452 = arith.constant dense<0.000000e+00> : vector<3200xf32>
    %reduce_sum3A_453 = vector.multi_reduction <add>, %mul3A_451, %reduce_sum3A_452 [1] : vector<3200x128xf32> to vector<3200xf32>
    %broadcast_in_dim3A_454 = vector.shape_cast %reduce_sum3A_453 : vector<3200xf32> to vector<3200x1xf32>
    %div3A_455 = arith.constant 1.280000e+02 : f32
    %div3A_456 = vector.broadcast %div3A_455 : f32 to vector<3200x1xf32>
    %div3A_457 = arith.divf %broadcast_in_dim3A_454, %div3A_456 : vector<3200x1xf32>
    %add3A_458 = arith.constant 9.99999974E-6 : f32
    %add3A_459 = vector.broadcast %add3A_458 : f32 to vector<3200x1xf32>
    %add3A_460 = arith.addf %div3A_457, %add3A_459 : vector<3200x1xf32>
    %rsqrt3A_461 = math.rsqrt %add3A_460 : vector<3200x1xf32>
    %mul3A_462 = vector.broadcast %rsqrt3A_461 : vector<3200x1xf32> to vector<3200x128xf32>
    %mul3A_463 = arith.mulf %sub3A_450, %mul3A_462 : vector<3200x128xf32>
    %get3A_464 = arith.constant 0 : index
    %get3A_465 = arith.constant 0 : index
    %get3A_466 = vector.load %arg8[%get3A_464, %get3A_465] : memref<1x128xf32, #tpu.memory_space<vmem>>, vector<1x128xf32>
    %mul3A_467 = vector.broadcast %get3A_466 : vector<1x128xf32> to vector<3200x128xf32>
    %mul3A_468 = arith.mulf %mul3A_463, %mul3A_467 : vector<3200x128xf32>
    %get3A_469 = arith.constant 0 : index
    %get3A_470 = arith.constant 0 : index
    %get3A_471 = vector.load %arg9[%get3A_469, %get3A_470] : memref<1x128xf32, #tpu.memory_space<vmem>>, vector<1x128xf32>
    %add3A_472 = vector.broadcast %get3A_471 : vector<1x128xf32> to vector<3200x128xf32>
    %add3A_473 = arith.addf %mul3A_468, %add3A_472 : vector<3200x128xf32>
    %reshape3A_474 = vector.shape_cast %add3A_473 : vector<3200x128xf32> to vector<50x64x128xf32>
    %reduce_max3A_475 = arith.constant dense<0xFF800000> : vector<64x128xf32>
    %reduce_max3A_476 = vector.multi_reduction <maximumf>, %reshape3A_474, %reduce_max3A_475 [0] : vector<50x64x128xf32> to vector<64x128xf32>
    %swap3A_477 = arith.constant 5 : index
    %swap3A_478 = arith.constant 0 : index
    %swap3A_479 = arith.constant 0 : index
    %swap3A_480 = vector.load %arg10[%swap3A_477, %swap3A_478, %swap3A_479] : memref<8x64x128xf32, #tpu.memory_space<vmem>>, vector<1x64x128xf32>
    %swap3A_481 = vector.shape_cast %swap3A_480 : vector<1x64x128xf32> to vector<64x128xf32>
    %swap3A_482 = vector.shape_cast %reduce_max3A_476 : vector<64x128xf32> to vector<1x64x128xf32>
    tpu.vector_store %arg10[%swap3A_477, %swap3A_478, %swap3A_479], %swap3A_482 {strides = array<i32>} : memref<8x64x128xf32, #tpu.memory_space<vmem>>, vector<1x64x128xf32>,
    %get3A_483 = arith.constant 0 : index
    %get3A_484 = arith.constant 6 : index
    %get3A_485 = arith.constant 0 : index
    %get3A_486 = arith.constant 0 : index
    %get3A_487 = vector.load %arg1[%get3A_483, %get3A_484, %get3A_485, %get3A_486] : memref<50x8x64x128xf32, #tpu.memory_space<vmem>>, vector<50x1x64x128xf32>
    %get3A_488 = vector.shape_cast %get3A_487 : vector<50x1x64x128xf32> to vector<50x64x128xf32>
    %reshape3A_489 = vector.shape_cast %get3A_488 : vector<50x64x128xf32> to vector<3200x128xf32>
    %lt3A_490 = arith.constant 64 : i32
    %lt3A_491 = vector.broadcast %lt3A_490 : i32 to vector<3200x128xi32>
    %lt3A_492 = arith.cmpi slt, %iota3A, %lt3A_491 : vector<3200x128xi32>
    %jit3A_493 = arith.constant 0.000000e+00 : f32
    %broadcast_in_dim3A_494 = vector.broadcast %jit3A_493 : f32 to vector<3200x128xf32>
    %select_n3A_495 = arith.select %lt3A_492, %reshape3A_489, %broadcast_in_dim3A_494 : vector<3200x128xi1>, vector<3200x128xf32>
    %convert_element_type3A_496 = arith.truncf %select_n3A_495 : vector<3200x128xf32> to vector<3200x128xbf16>
    %dot_general3A_497 = arith.constant dense<0.000000e+00> : vector<3200x128xf32>
    %dot_general3A_498 = tpu.matmul %convert_element_type3A_496, %convert_element_type3A_6, %dot_general3A_497 {dimension_numbers = #tpu.dot_dimension_numbers<[1], [0], [0], [1], [0, 0, 1, 1], [], []>, transpose_lhs_hint = false} : vector<3200x128xbf16>, vector<128x128xbf16>, vector<3200x128xf32> -> vector<3200x128xf32>
    %get3A_499 = arith.constant 6 : index
    %get3A_500 = arith.constant 0 : index
    %get3A_501 = arith.constant 0 : index
    %get3A_502 = vector.load %arg4[%get3A_499, %get3A_500, %get3A_501] : memref<8x128x128xf32, #tpu.memory_space<vmem>>, vector<1x128x128xf32>
    %get3A_503 = vector.shape_cast %get3A_502 : vector<1x128x128xf32> to vector<128x128xf32>
    %convert_element_type3A_504 = arith.truncf %get3A_503 : vector<128x128xf32> to vector<128x128xbf16>
    %dot_general3A_505 = arith.constant dense<0.000000e+00> : vector<3200x128xf32>
    %dot_general3A_506 = tpu.matmul %convert_element_type3A, %convert_element_type3A_504, %dot_general3A_505 {dimension_numbers = #tpu.dot_dimension_numbers<[1], [0], [0], [1], [0, 0, 1, 1], [], []>, transpose_lhs_hint = false} : vector<3200x128xbf16>, vector<128x128xbf16>, vector<3200x128xf32> -> vector<3200x128xf32>
    %add3A_507 = arith.addf %dot_general3A_498, %dot_general3A_506 : vector<3200x128xf32>
    %get3A_508 = arith.constant 0 : index
    %get3A_509 = arith.constant 0 : index
    %get3A_510 = vector.load %arg5[%get3A_508, %get3A_509] : memref<1x128xf32, #tpu.memory_space<vmem>>, vector<1x128xf32>
    %add3A_511 = vector.broadcast %get3A_510 : vector<1x128xf32> to vector<3200x128xf32>
    %add3A_512 = arith.addf %add3A_507, %add3A_511 : vector<3200x128xf32>
    %max3A_513 = arith.constant 0.000000e+00 : f32
    %max3A_514 = vector.broadcast %max3A_513 : f32 to vector<3200x128xf32>
    %max3A_515 = arith.maximumf %add3A_512, %max3A_514 : vector<3200x128xf32>
    %convert_element_type3A_516 = arith.truncf %max3A_515 : vector<3200x128xf32> to vector<3200x128xbf16>
    %dot_general3A_517 = arith.constant dense<0.000000e+00> : vector<3200x128xf32>
    %dot_general3A_518 = tpu.matmul %convert_element_type3A_516, %convert_element_type3A_10, %dot_general3A_517 {dimension_numbers = #tpu.dot_dimension_numbers<[1], [0], [0], [1], [0, 0, 1, 1], [], []>, transpose_lhs_hint = false} : vector<3200x128xbf16>, vector<128x128xbf16>, vector<3200x128xf32> -> vector<3200x128xf32>
    %get3A_519 = arith.constant 0 : index
    %get3A_520 = arith.constant 0 : index
    %get3A_521 = vector.load %arg7[%get3A_519, %get3A_520] : memref<1x128xf32, #tpu.memory_space<vmem>>, vector<1x128xf32>
    %add3A_522 = vector.broadcast %get3A_521 : vector<1x128xf32> to vector<3200x128xf32>
    %add3A_523 = arith.addf %dot_general3A_518, %add3A_522 : vector<3200x128xf32>
    %reduce_sum3A_524 = arith.constant dense<0.000000e+00> : vector<3200xf32>
    %reduce_sum3A_525 = vector.multi_reduction <add>, %add3A_523, %reduce_sum3A_524 [1] : vector<3200x128xf32> to vector<3200xf32>
    %broadcast_in_dim3A_526 = vector.shape_cast %reduce_sum3A_525 : vector<3200xf32> to vector<3200x1xf32>
    %div3A_527 = arith.constant 1.280000e+02 : f32
    %div3A_528 = vector.broadcast %div3A_527 : f32 to vector<3200x1xf32>
    %div3A_529 = arith.divf %broadcast_in_dim3A_526, %div3A_528 : vector<3200x1xf32>
    %sub3A_530 = vector.broadcast %div3A_529 : vector<3200x1xf32> to vector<3200x128xf32>
    %sub3A_531 = arith.subf %add3A_523, %sub3A_530 : vector<3200x128xf32>
    %mul3A_532 = arith.mulf %sub3A_531, %sub3A_531 : vector<3200x128xf32>
    %reduce_sum3A_533 = arith.constant dense<0.000000e+00> : vector<3200xf32>
    %reduce_sum3A_534 = vector.multi_reduction <add>, %mul3A_532, %reduce_sum3A_533 [1] : vector<3200x128xf32> to vector<3200xf32>
    %broadcast_in_dim3A_535 = vector.shape_cast %reduce_sum3A_534 : vector<3200xf32> to vector<3200x1xf32>
    %div3A_536 = arith.constant 1.280000e+02 : f32
    %div3A_537 = vector.broadcast %div3A_536 : f32 to vector<3200x1xf32>
    %div3A_538 = arith.divf %broadcast_in_dim3A_535, %div3A_537 : vector<3200x1xf32>
    %add3A_539 = arith.constant 9.99999974E-6 : f32
    %add3A_540 = vector.broadcast %add3A_539 : f32 to vector<3200x1xf32>
    %add3A_541 = arith.addf %div3A_538, %add3A_540 : vector<3200x1xf32>
    %rsqrt3A_542 = math.rsqrt %add3A_541 : vector<3200x1xf32>
    %mul3A_543 = vector.broadcast %rsqrt3A_542 : vector<3200x1xf32> to vector<3200x128xf32>
    %mul3A_544 = arith.mulf %sub3A_531, %mul3A_543 : vector<3200x128xf32>
    %get3A_545 = arith.constant 0 : index
    %get3A_546 = arith.constant 0 : index
    %get3A_547 = vector.load %arg8[%get3A_545, %get3A_546] : memref<1x128xf32, #tpu.memory_space<vmem>>, vector<1x128xf32>
    %mul3A_548 = vector.broadcast %get3A_547 : vector<1x128xf32> to vector<3200x128xf32>
    %mul3A_549 = arith.mulf %mul3A_544, %mul3A_548 : vector<3200x128xf32>
    %get3A_550 = arith.constant 0 : index
    %get3A_551 = arith.constant 0 : index
    %get3A_552 = vector.load %arg9[%get3A_550, %get3A_551] : memref<1x128xf32, #tpu.memory_space<vmem>>, vector<1x128xf32>
    %add3A_553 = vector.broadcast %get3A_552 : vector<1x128xf32> to vector<3200x128xf32>
    %add3A_554 = arith.addf %mul3A_549, %add3A_553 : vector<3200x128xf32>
    %reshape3A_555 = vector.shape_cast %add3A_554 : vector<3200x128xf32> to vector<50x64x128xf32>
    %reduce_max3A_556 = arith.constant dense<0xFF800000> : vector<64x128xf32>
    %reduce_max3A_557 = vector.multi_reduction <maximumf>, %reshape3A_555, %reduce_max3A_556 [0] : vector<50x64x128xf32> to vector<64x128xf32>
    %swap3A_558 = arith.constant 6 : index
    %swap3A_559 = arith.constant 0 : index
    %swap3A_560 = arith.constant 0 : index
    %swap3A_561 = vector.load %arg10[%swap3A_558, %swap3A_559, %swap3A_560] : memref<8x64x128xf32, #tpu.memory_space<vmem>>, vector<1x64x128xf32>
    %swap3A_562 = vector.shape_cast %swap3A_561 : vector<1x64x128xf32> to vector<64x128xf32>
    %swap3A_563 = vector.shape_cast %reduce_max3A_557 : vector<64x128xf32> to vector<1x64x128xf32>
    tpu.vector_store %arg10[%swap3A_558, %swap3A_559, %swap3A_560], %swap3A_563 {strides = array<i32>} : memref<8x64x128xf32, #tpu.memory_space<vmem>>, vector<1x64x128xf32>,
    %get3A_564 = arith.constant 0 : index
    %get3A_565 = arith.constant 7 : index
    %get3A_566 = arith.constant 0 : index
    %get3A_567 = arith.constant 0 : index
    %get3A_568 = vector.load %arg1[%get3A_564, %get3A_565, %get3A_566, %get3A_567] : memref<50x8x64x128xf32, #tpu.memory_space<vmem>>, vector<50x1x64x128xf32>
    %get3A_569 = vector.shape_cast %get3A_568 : vector<50x1x64x128xf32> to vector<50x64x128xf32>
    %reshape3A_570 = vector.shape_cast %get3A_569 : vector<50x64x128xf32> to vector<3200x128xf32>
    %lt3A_571 = arith.constant 64 : i32
    %lt3A_572 = vector.broadcast %lt3A_571 : i32 to vector<3200x128xi32>
    %lt3A_573 = arith.cmpi slt, %iota3A, %lt3A_572 : vector<3200x128xi32>
    %jit3A_574 = arith.constant 0.000000e+00 : f32
    %broadcast_in_dim3A_575 = vector.broadcast %jit3A_574 : f32 to vector<3200x128xf32>
    %select_n3A_576 = arith.select %lt3A_573, %reshape3A_570, %broadcast_in_dim3A_575 : vector<3200x128xi1>, vector<3200x128xf32>
    %convert_element_type3A_577 = arith.truncf %select_n3A_576 : vector<3200x128xf32> to vector<3200x128xbf16>
    %dot_general3A_578 = arith.constant dense<0.000000e+00> : vector<3200x128xf32>
    %dot_general3A_579 = tpu.matmul %convert_element_type3A_577, %convert_element_type3A_6, %dot_general3A_578 {dimension_numbers = #tpu.dot_dimension_numbers<[1], [0], [0], [1], [0, 0, 1, 1], [], []>, transpose_lhs_hint = false} : vector<3200x128xbf16>, vector<128x128xbf16>, vector<3200x128xf32> -> vector<3200x128xf32>
    %get3A_580 = arith.constant 7 : index
    %get3A_581 = arith.constant 0 : index
    %get3A_582 = arith.constant 0 : index
    %get3A_583 = vector.load %arg4[%get3A_580, %get3A_581, %get3A_582] : memref<8x128x128xf32, #tpu.memory_space<vmem>>, vector<1x128x128xf32>
    %get3A_584 = vector.shape_cast %get3A_583 : vector<1x128x128xf32> to vector<128x128xf32>
    %convert_element_type3A_585 = arith.truncf %get3A_584 : vector<128x128xf32> to vector<128x128xbf16>
    %dot_general3A_586 = arith.constant dense<0.000000e+00> : vector<3200x128xf32>
    %dot_general3A_587 = tpu.matmul %convert_element_type3A, %convert_element_type3A_585, %dot_general3A_586 {dimension_numbers = #tpu.dot_dimension_numbers<[1], [0], [0], [1], [0, 0, 1, 1], [], []>, transpose_lhs_hint = false} : vector<3200x128xbf16>, vector<128x128xbf16>, vector<3200x128xf32> -> vector<3200x128xf32>
    %add3A_588 = arith.addf %dot_general3A_579, %dot_general3A_587 : vector<3200x128xf32>
    %get3A_589 = arith.constant 0 : index
    %get3A_590 = arith.constant 0 : index
    %get3A_591 = vector.load %arg5[%get3A_589, %get3A_590] : memref<1x128xf32, #tpu.memory_space<vmem>>, vector<1x128xf32>
    %add3A_592 = vector.broadcast %get3A_591 : vector<1x128xf32> to vector<3200x128xf32>
    %add3A_593 = arith.addf %add3A_588, %add3A_592 : vector<3200x128xf32>
    %max3A_594 = arith.constant 0.000000e+00 : f32
    %max3A_595 = vector.broadcast %max3A_594 : f32 to vector<3200x128xf32>
    %max3A_596 = arith.maximumf %add3A_593, %max3A_595 : vector<3200x128xf32>
    %convert_element_type3A_597 = arith.truncf %max3A_596 : vector<3200x128xf32> to vector<3200x128xbf16>
    %dot_general3A_598 = arith.constant dense<0.000000e+00> : vector<3200x128xf32>
    %dot_general3A_599 = tpu.matmul %convert_element_type3A_597, %convert_element_type3A_10, %dot_general3A_598 {dimension_numbers = #tpu.dot_dimension_numbers<[1], [0], [0], [1], [0, 0, 1, 1], [], []>, transpose_lhs_hint = false} : vector<3200x128xbf16>, vector<128x128xbf16>, vector<3200x128xf32> -> vector<3200x128xf32>
    %get3A_600 = arith.constant 0 : index
    %get3A_601 = arith.constant 0 : index
    %get3A_602 = vector.load %arg7[%get3A_600, %get3A_601] : memref<1x128xf32, #tpu.memory_space<vmem>>, vector<1x128xf32>
    %add3A_603 = vector.broadcast %get3A_602 : vector<1x128xf32> to vector<3200x128xf32>
    %add3A_604 = arith.addf %dot_general3A_599, %add3A_603 : vector<3200x128xf32>
    %reduce_sum3A_605 = arith.constant dense<0.000000e+00> : vector<3200xf32>
    %reduce_sum3A_606 = vector.multi_reduction <add>, %add3A_604, %reduce_sum3A_605 [1] : vector<3200x128xf32> to vector<3200xf32>
    %broadcast_in_dim3A_607 = vector.shape_cast %reduce_sum3A_606 : vector<3200xf32> to vector<3200x1xf32>
    %div3A_608 = arith.constant 1.280000e+02 : f32
    %div3A_609 = vector.broadcast %div3A_608 : f32 to vector<3200x1xf32>
    %div3A_610 = arith.divf %broadcast_in_dim3A_607, %div3A_609 : vector<3200x1xf32>
    %sub3A_611 = vector.broadcast %div3A_610 : vector<3200x1xf32> to vector<3200x128xf32>
    %sub3A_612 = arith.subf %add3A_604, %sub3A_611 : vector<3200x128xf32>
    %mul3A_613 = arith.mulf %sub3A_612, %sub3A_612 : vector<3200x128xf32>
    %reduce_sum3A_614 = arith.constant dense<0.000000e+00> : vector<3200xf32>
    %reduce_sum3A_615 = vector.multi_reduction <add>, %mul3A_613, %reduce_sum3A_614 [1] : vector<3200x128xf32> to vector<3200xf32>
    %broadcast_in_dim3A_616 = vector.shape_cast %reduce_sum3A_615 : vector<3200xf32> to vector<3200x1xf32>
    %div3A_617 = arith.constant 1.280000e+02 : f32
    %div3A_618 = vector.broadcast %div3A_617 : f32 to vector<3200x1xf32>
    %div3A_619 = arith.divf %broadcast_in_dim3A_616, %div3A_618 : vector<3200x1xf32>
    %add3A_620 = arith.constant 9.99999974E-6 : f32
    %add3A_621 = vector.broadcast %add3A_620 : f32 to vector<3200x1xf32>
    %add3A_622 = arith.addf %div3A_619, %add3A_621 : vector<3200x1xf32>
    %rsqrt3A_623 = math.rsqrt %add3A_622 : vector<3200x1xf32>
    %mul3A_624 = vector.broadcast %rsqrt3A_623 : vector<3200x1xf32> to vector<3200x128xf32>
    %mul3A_625 = arith.mulf %sub3A_612, %mul3A_624 : vector<3200x128xf32>
    %get3A_626 = arith.constant 0 : index
    %get3A_627 = arith.constant 0 : index
    %get3A_628 = vector.load %arg8[%get3A_626, %get3A_627] : memref<1x128xf32, #tpu.memory_space<vmem>>, vector<1x128xf32>
    %mul3A_629 = vector.broadcast %get3A_628 : vector<1x128xf32> to vector<3200x128xf32>
    %mul3A_630 = arith.mulf %mul3A_625, %mul3A_629 : vector<3200x128xf32>
    %get3A_631 = arith.constant 0 : index
    %get3A_632 = arith.constant 0 : index
    %get3A_633 = vector.load %arg9[%get3A_631, %get3A_632] : memref<1x128xf32, #tpu.memory_space<vmem>>, vector<1x128xf32>
    %add3A_634 = vector.broadcast %get3A_633 : vector<1x128xf32> to vector<3200x128xf32>
    %add3A_635 = arith.addf %mul3A_630, %add3A_634 : vector<3200x128xf32>
    %reshape3A_636 = vector.shape_cast %add3A_635 : vector<3200x128xf32> to vector<50x64x128xf32>
    %reduce_max3A_637 = arith.constant dense<0xFF800000> : vector<64x128xf32>
    %reduce_max3A_638 = vector.multi_reduction <maximumf>, %reshape3A_636, %reduce_max3A_637 [0] : vector<50x64x128xf32> to vector<64x128xf32>
    %swap3A_639 = arith.constant 7 : index
    %swap3A_640 = arith.constant 0 : index
    %swap3A_641 = arith.constant 0 : index
    %swap3A_642 = vector.load %arg10[%swap3A_639, %swap3A_640, %swap3A_641] : memref<8x64x128xf32, #tpu.memory_space<vmem>>, vector<1x64x128xf32>
    %swap3A_643 = vector.shape_cast %swap3A_642 : vector<1x64x128xf32> to vector<64x128xf32>
    %swap3A_644 = vector.shape_cast %reduce_max3A_638 : vector<64x128xf32> to vector<1x64x128xf32>
    tpu.vector_store %arg10[%swap3A_639, %swap3A_640, %swap3A_641], %swap3A_644 {strides = array<i32>} : memref<8x64x128xf32, #tpu.memory_space<vmem>>, vector<1x64x128xf32>,
    return
  }
  func.func @transform_0(%arg0: i32) -> (i32, i32, i32, i32) {
    %c0_i32 = arith.constant 0 : i32
    %c0_i32_0 = arith.constant 0 : i32
    %c0_i32_1 = arith.constant 0 : i32
    %c0_i32_2 = arith.constant 0 : i32
    return %c0_i32, %c0_i32_0, %arg0, %c0_i32_1 : i32, i32, i32, i32
  }
  func.func @transform_1(%arg0: i32) -> (i32, i32, i32) {
    %c0_i32 = arith.constant 0 : i32
    %c0_i32_0 = arith.constant 0 : i32
    %c0_i32_1 = arith.constant 0 : i32
    return %c0_i32, %arg0, %c0_i32_0 : i32, i32, i32
  }
  func.func @transform_2(%arg0: i32) -> (i32, i32) {
    %c0_i32 = arith.constant 0 : i32
    %c0_i32_0 = arith.constant 0 : i32
    %c0_i32_1 = arith.constant 0 : i32
    return %c0_i32, %c0_i32_0 : i32, i32
  }
  func.func @transform_3(%arg0: i32) -> (i32, i32, i32) {
    %c0_i32 = arith.constant 0 : i32
    %c0_i32_0 = arith.constant 0 : i32
    %c0_i32_1 = arith.constant 0 : i32
    %c0_i32_2 = arith.constant 0 : i32
    return %c0_i32, %c0_i32_0, %c0_i32_1 : i32, i32, i32
  }
  func.func @transform_4(%arg0: i32) -> (i32, i32) {
    %c0_i32 = arith.constant 0 : i32
    %c0_i32_0 = arith.constant 0 : i32
    %c0_i32_1 = arith.constant 0 : i32
    return %c0_i32, %c0_i32_0 : i32, i32
  }
  func.func @transform_5(%arg0: i32) -> (i32, i32) {
    %c0_i32 = arith.constant 0 : i32
    %c0_i32_0 = arith.constant 0 : i32
    %c0_i32_1 = arith.constant 0 : i32
    return %c0_i32, %c0_i32_0 : i32, i32
  }
  func.func @transform_6(%arg0: i32) -> (i32, i32) {
    %c0_i32 = arith.constant 0 : i32
    %c0_i32_0 = arith.constant 0 : i32
    %c0_i32_1 = arith.constant 0 : i32
    return %c0_i32, %c0_i32_0 : i32, i32
  }
  func.func @transform_7(%arg0: i32) -> (i32, i32) {
    %c0_i32 = arith.constant 0 : i32
    %c0_i32_0 = arith.constant 0 : i32
    %c0_i32_1 = arith.constant 0 : i32
    return %c0_i32, %c0_i32_0 : i32, i32
  }
  func.func @transform_8(%arg0: i32) -> (i32, i32) {
    %c0_i32 = arith.constant 0 : i32
    %c0_i32_0 = arith.constant 0 : i32
    %c0_i32_1 = arith.constant 0 : i32
    return %c0_i32, %c0_i32_0 : i32, i32
  }
  func.func @transform_9(%arg0: i32) -> (i32, i32, i32) {
    %c0_i32 = arith.constant 0 : i32
    %c0_i32_0 = arith.constant 0 : i32
    %c0_i32_1 = arith.constant 0 : i32
    return %c0_i32, %arg0, %c0_i32_0 : i32, i32, i32
  }
}

</mosaic_0001>

<sc_bundles>
// kernel: kernel.4.cloned.1.call-start
scs
__scs_entry_jumppad:
0x0: {  	(pc) =	sbr.rel $0x88, $3  }
0x1: {  	(tag) =	ssettag $0x0;
	lr =	simm.s32 $0x1  }
0x2: {  	[smem:$0x3F98] =	sst lr;
	_ =	strace $0xD0000000  }
0x3: {  	_ = 	snop  }
0x4: {  	_ = 	snop  }
0x5: {  	_ = 	snop  }
0x6: {  	_ = 	snop  }
0x7: {  	_ = 	snop  }
__scs_overlays_trampoline_lowered:
0x8: {  	[smem:$0x3FA7] =	sst s0  }
0x9: {  	[smem:$0x3FA8] =	sst s1  }
0xa: {  	[smem:$0x3FA9] =	sst s2  }
0xb: {  	[smem:$0x3FAA] =	sst s3  }
0xc: {  	[smem:$0x3FAB] =	sst s4  }
0xd: {  	[smem:$0x3FAC] =	sst s5  }
0xe: {  	[smem:$0x3FAD] =	sst s6  }
0xf: {  	[smem:$0x3FAE] =	sst s7  }
0x10: {  	[smem:$0x3FAF] =	sst s8  }
0x11: {  	[smem:$0x3FB0] =	sst s9;
	s0 =	simm.s32 @!p0 $0x0  }
0x12: {  	s1 =	sld [smem:$0x3F96];
	s0 =	simm.s32 @p0 $0x1  }
0x13: {  	[smem:$0x3FB1] =	sst s0;
	s0 =	simm.s32 @!p1 $0x0  }
0x14: {  	s2 =	sld [smem:$0x3F95];
	s0 =	simm.s32 @p1 $0x1  }
0x15: {  	[smem:$0x3FB2] =	sst s0;
	s0 =	simm.s32 @!p2 $0x0  }
0x16: {  	s3 =	sld [smem:$0x3FDB];
	s0 =	simm.s32 @p2 $0x1  }
0x17: {  	s4 =	simm.s32 $0x1BF5;
	[smem:$0x3FB4] =	sst s0  }
0x18: {  	s0 =	sld [smem:$0x3F97];
	_ =	swait.ge [sflag:s4], $0x0  }
0x19: {  	s7 =	sld [smem:$0x3F98]  }
0x1a: {  	s8 =	sadd.s32 $0xFFFFE003, lr  }
0x1b: {  	s9 =	sadd.s32 $0xFFFFFEF7, lr;
	s5 =	simm.s32 $0xFFFFFFFF;
	p2 =	slt.u32 s8, $0xFFFFF086  }
0x1c: {  	p1 =	slt.u32 s9, $0xF7A;
	s5 =	simm.s32 @!p2 $0x0  }
0x1d: {  	s5 =	simm.s32 @p1 $0x1;
	p0 =	seq.s32 s7, s2  }
0x1e: {  	s7 =	smul.u32 @!p0 $0xF7A, s2;
	p2 =	seq.s32 @!p0 s5, $0x0  }
0x1f: {  	s9 =	smul.u32 $0xF7A, s1;
	s8 =	simm.s32 @!p0 $0x1BF5;
	p2 =	por !p2, p0  }
0x20: {  	[sflag:s8] =	ssyncset.s32 @!p0 $0xFFFFF086;
	s6 =	sadd.s32 @!p0 s3, s7;
	s7 =	simm.s32 @!p0 $0x108  }
0x21: {  	s3 =	sadd.s32 s3, s9;
	s6 =	sadd.s32 @!p0 $0x88, s6;
	s7 =	simm.s32 @p2 $0x1082  }
0x22: {  	[simem:s7], [sflag:s8] =	dma.local @!p0 [hbm:s6], $0xF7A  }
0x23: {  	s9 =	sor.u32 $0xD0000000, s2;
	s6 =	simm.s32 $0x108;
	_ =	swait.ge @!p0 [sflag:s8], $0x0  }
0x24: {  	s3 =	sadd.s32 $0x88, s3;
	s6 =	simm.s32 @!p1 $0x1082;
	[sflag:s4] =	ssyncset.s32 $0xFFFFF086  }
0x25: {  	[simem:s6], [sflag:s4] =	dma.local [hbm:s3], $0xF7A  }
0x26: {  	[smem:$0x3F98] =	sst s1;
	(tag) =	ssettag s2;
	_ =	strace s9  }
0x27: {  	s1 =	sld [smem:$0x3FA8]  }
0x28: {  	s2 =	sld [smem:$0x3FA9]  }
0x29: {  	s4 =	sld [smem:$0x3FAB]  }
0x2a: {  	p0 =	seq.s32 s5, $0x0;
	s5 =	sld [smem:$0x3FAC]  }
0x2b: {  	s6 =	sld [smem:$0x3FAD]  }
0x2c: {  	s7 =	sld [smem:$0x3FAE]  }
0x2d: {  	s3 =	simm.s32 $0x108;
	s8 =	sld [smem:$0x3FAF]  }
0x2e: {  	s3 =	simm.s32 @!p0 $0x1082;
	s9 =	sld [smem:$0x3FB0]  }
0x2f: {  	lr =	sadd.s32 s0, s3;
	s0 =	sld [smem:$0x3FA7]  }
0x30: {  	s3 =	sld [smem:$0x3FAA]  }
0x31: {  	[smem:$0x3FB3] =	sst s10  }
0x32: {  	s10 =	sld [smem:$0x3FB1];
	_ =	sdelay $0x3  }
0x33: {  	p0 =	seq.s32 s10, $0x1;
	s10 =	sld [smem:$0x3FB3];
	_ =	sdelay $0x3  }
0x34: {  	[smem:$0x3FB3] =	sst s10  }
0x35: {  	s10 =	sld [smem:$0x3FB2];
	_ =	sdelay $0x3  }
0x36: {  	p1 =	seq.s32 s10, $0x1;
	s10 =	sld [smem:$0x3FB3];
	_ =	sdelay $0x3  }
0x37: {  	[smem:$0x3FB3] =	sst s10  }
0x38: {  	s10 =	sld [smem:$0x3FB4]  }
0x39: {  	_ = 	snop;
	(pc) =	sbr.ind lr, $3  }
0x3a: {  	_ = 	snop  }
0x3b: {  	_ = 	snop  }
0x3c: {  	p2 =	seq.s32 s10, $0x1;
	s10 =	sld [smem:$0x3FB3]  }
0x3d: {  	_ =	shalt  }
0x3e: {  	_ =	shalt  }
0x3f: {  	_ =	shalt  }
0x40: {  	_ =	shalt  }
0x41: {  	_ =	shalt  }
0x42: {  	_ =	shalt  }
0x43: {  	_ =	shalt  }
0x44: {  	_ =	shalt  }
0x45: {  	_ =	shalt  }
0x46: {  	_ =	shalt  }
0x47: {  	_ =	shalt  }
0x48: {  	_ =	shalt  }
0x49: {  	_ =	shalt  }
0x4a: {  	_ =	shalt  }
0x4b: {  	_ =	shalt  }
0x4c: {  	_ =	shalt  }
0x4d: {  	_ =	shalt  }
0x4e: {  	_ =	shalt  }
0x4f: {  	_ =	shalt  }
0x50: {  	_ =	shalt  }
0x51: {  	_ =	shalt  }
0x52: {  	_ =	shalt  }
0x53: {  	_ =	shalt  }
0x54: {  	_ =	shalt  }
0x55: {  	_ =	shalt  }
0x56: {  	_ =	shalt  }
0x57: {  	_ =	shalt  }
0x58: {  	_ =	shalt  }
0x59: {  	_ =	shalt  }
0x5a: {  	_ =	shalt  }
0x5b: {  	_ =	shalt  }
0x5c: {  	_ =	shalt  }
0x5d: {  	_ =	shalt  }
0x5e: {  	_ =	shalt  }
0x5f: {  	_ =	shalt  }
0x60: {  	_ =	shalt  }
0x61: {  	_ =	shalt  }
0x62: {  	_ =	shalt  }
0x63: {  	_ =	shalt  }
0x64: {  	_ =	shalt  }
0x65: {  	_ =	shalt  }
0x66: {  	_ =	shalt  }
0x67: {  	_ =	shalt  }
0x68: {  	_ =	shalt  }
0x69: {  	_ =	shalt  }
0x6a: {  	_ =	shalt  }
0x6b: {  	_ =	shalt  }
0x6c: {  	_ =	shalt  }
0x6d: {  	_ =	shalt  }
0x6e: {  	_ =	shalt  }
0x6f: {  	_ =	shalt  }
0x70: {  	_ =	shalt  }
0x71: {  	_ =	shalt  }
0x72: {  	_ =	shalt  }
0x73: {  	_ =	shalt  }
0x74: {  	_ =	shalt  }
0x75: {  	_ =	shalt  }
0x76: {  	_ =	shalt  }
0x77: {  	_ =	shalt  }
0x78: {  	_ =	shalt  }
0x79: {  	_ =	shalt  }
0x7a: {  	_ =	shalt  }
0x7b: {  	_ =	shalt  }
0x7c: {  	_ =	shalt  }
0x7d: {  	_ =	shalt  }
0x7e: {  	_ =	shalt  }
0x7f: {  	_ =	shalt  }
0x80: {  	_ =	shalt  }
0x81: {  	_ =	shalt  }
0x82: {  	_ =	shalt  }
0x83: {  	_ =	shalt  }
0x84: {  	_ =	shalt  }
0x85: {  	_ =	shalt  }
0x86: {  	_ =	shalt  }
0x87: {  	_ =	shalt  }
.Lfunc_end0:
.L_simem_size_0:
called_computation_lowered:
.L_overlay_start_0:
0x88: {  	s2 =	sld [smem:$0x3FD9]  }
0x89: {  	s3 =	sld [smem:$0x3FFE];
	_ =	sdelay $0x1  }
0x8a: {  	s1 =	srdreg.scid  }
0x8b: {  	s0 =	sand.u32 $0x1, s1  }
0x8c: {  	s17 =	sshll.u32 s0, $0xA;
	s2 =	sadd.s32 s3, s2  }
0x8d: {  	s2 =	sadd.s32 s2, s17  }
0x8e: {  	[smem:$0x3FBF] =	sst s2  }
0x8f: {  	_ = 	snop  }
0x90: {  	s2 =	sld [smem:$0x3FD0];
	(tm) =	ssettm $0x1  }
0x91: {  	s18 =	sld [smem:$0x3FFB];
	_ =	sdelay $0x3  }
0x92: {  	_ =	strace s18  }
0x93: {  	s3 =	sld [smem:$0x3FFC];
	_ =	sdelay $0x3  }
0x94: {  	_ =	strace s3  }
0x95: {  	s3 =	sld [smem:$0x3FFD];
	_ =	sdelay $0x3  }
0x96: {  	_ =	strace s3  }
0x97: {  	_ =	strace $0x8FFFFFFF  }
0x98: {  	s19 =	sld [smem:$0x3FDB];
	_ =	sdelay $0x1  }
0x99: {  	s4 =	simm.s32 $_scs_section_size  }
0x9a: {  	s5 =	simm.s32 $_size__tile_overlayer_lowered;
	s6 =	simm.s32 $_tile_overlayer_lowered  }
0x9b: {  	s22 =	simm.s32 $0x1BFF;
	s21 =	sshll.u32 s6, $0x1;
	s3 =	sadd.s32 s4, s19  }
0x9c: {  	s7 =	simm.s32 $0x0;
	s20 =	sshll.u32 s5, $0x1;
	s5 =	sadd.s32 s21, s3  }
0x9d: {  	[timem:s7], [sflag:s22] =	dma.local [hbm:s5], s20  }
0x9e: {  	_ =	swait.ge [sflag:s22], s20  }
0x9f: {  	s4 =	ssub.s32 $0x0, s20;
	[sflag:s22] =	ssyncset.done $0x0  }
0xa0: {  	[sflag:s22] =	ssyncadd.s32 s4;
	_ =	sdelay $0x1  }
0xa1: {  	s23 =	simm.s32 $0x1B8B  }
0xa2: {  	_ =	swait.ge [sflag:s23], $0x1  }
0xa3: {  	[sflag:s23] =	ssyncset.done $0x0  }
0xa4: {  	s25 =	simm.s32 $0x1B8E;
	s24 =	sld [smem:$0x3FFE];
	[sflag:s23] =	ssyncadd.s32 $0xFFFFFFFF  }
0xa5: {  	s26 =	simm.s32 $execute0_lowered;
	[smem:$0x3FD2] =	sst s25  }
0xa6: {  	s5 =	sshll.u32 s26, $0x1;
	_ =	strace $0x80000046;
	[dreg:$0x1] =	wrdreg $0xFFFFFFFF  }
0xa7: {  	s28 =	simm.s32 $_size_execute0_lowered;
	s3 =	sadd.s32 s3, s5;
	[dreg:$0x0] =	wrdreg $0x0  }
0xa8: {  	s5 =	sshll.u32 s28, $0x1;
	[dreg:$0x2] =	wrdreg s3  }
0xa9: {  	[dreg:$0x3] =	wrdreg s5  }
0xaa: {  	[dreg:$0x4] =	wrdreg $0xC0  }
0xab: {  	_ =	task [dreg:s7], $0x5FFFF  }
0xac: {  	[dreg:$0x1] =	wrdreg $0xFFFFFFFF  }
0xad: {  	[dreg:$0x0] =	wrdreg $0x60  }
0xae: {  	[dreg:$0x2] =	wrdreg s24  }
0xaf: {  	[dreg:$0x3] =	wrdreg s2  }
0xb0: {  	[dreg:$0x4] =	wrdreg $0x9  }
0xb1: {  	_ =	task.clear_ibuf [dreg:s7], $0x5FFFF;
	_ =	strace $0x90000046  }
0xb2: {  	s29 =	simm.s32 $0x9;
	_ =	strace $0x8000004F  }
0xb3: {  	_ =	swait.ge [sflag:s29], $0x1  }
0xb4: {  	[sflag:s29] =	ssyncadd.s32 $0xFFFFFFFF  }
0xb5: {  	_ =	strace $0x9000004F  }
0xb6: {  	_ =	sfence  }
0xb7: {  	s30 =	sld [smem:$0x0];
	_ =	sdelay $0x2  }
0xb8: {  	s31 =	sshll.u32 s1, $0xD;
	s1 =	sshrl.u32 s1, $0x2  }
0xb9: {  	s3 =	sand.u32 $0x4000, s31;
	s1 =	sadd.s32 s1, s30  }
0xba: {  	s0 =	sor.u32 s3, s0;
	s1 =	sshll.u32 s1, $0x11  }
0xbb: {  	s0 =	sor.u32 s1, s0  }
0xbc: {  	s0 =	sadd.s32 $0x8F2B, s0  }
0xbd: {  	[sflag:s0] =	ssyncadd.remote.s32 $0x1  }
0xbe: {  	_ =	sfence.sel $0xFFFF  }
0xbf: {  	[dreg:$0x0] =	wrdreg $0xFFFFFFFF;
	(pc) =	sbr.abs _section_cstart, $3  }
0xc0: {  	[dreg:$0x1] =	wrdreg $0xFFFFFFFF  }
0xc1: {  	_ =	task.clear_ibuf [dreg:s7], $0x2FFFF;
	_ =	strace $0x9FFFFFFF  }
0xc2: {  	(tm) =	ssettm $0x7FFFFFFF  }
0xc3: {  	_ =	shalt  }
tec
execute0_lowered:
.L_overlay_start_1:
0x0: {  	(tag) =	ssettag $0x1  }
0x1: {  	s4 =	rddreg [dreg:$0x0]  }
0x2: {  	s1 =	rddreg [dreg:$0x1];
	s2 =	srdreg.scid;
	s3 =	simm.s32 $0x0  }
0x3: {  	s0 =	stileid.u32;
	s9 =	simm.s32 $0x80;
	s10 =	simm.s32 $0x5  }
0x4: {  	s11 =	simm.s32 $0x3;
	s12 =	simm.s32 $0x0;
	s5 =	sand.u32 $0x1, s2  }
0x5: {  	[smem:$0x7FF] =	sst s3;
	s7 =	sadd.s32 $0x24B600, s4;
	s6 =	sshll.u32 s5, $0x4  }
0x6: {  	s4 =	sadd.s32 $0x188000, s4;
	s5 =	ssub.s32 $0x2, s5;
	s6 =	sor.u32 s0, s6  }
0x7: {  	_ =	strace $0x80000047;
	s31 =	sshrl.u32 s5, $0x1;
	s8 =	smul.u32 $0x320, s6  }
0x8: {  	[dreg:$0x3] =	wrdreg s7;
	s7 =	ssub.s32 s5, s31;
	s5 =	smul.u32 $0x19, s6  }
0x9: {  	s7 =	smax.u32 s7, $0x1;
	s6 =	sadd.s32 s1, s8;
	s8 =	simm.s32 $0x1  }
.LBB2_1:
0xa: {  	_ =	strace $0x80000048;
	s14 =	simm.s32 $0x1;
	p0 =	por $0x0, $0x0  }
0xb: {  	[tilespmem:s3], [sflag:$0x1] =	stream.linear.gather [hbm4b:s6+s3], $0x100, $0x200038;
	[tilespmem:$0x8200] =	vst v63  }
0xc: {  	s14 =	simm.s32 @p0 $0x0  }
0xd: {  	p1 =	por $0x1, $0x1;
	p0 =	sne.s32 s14, $0x0  }
0xe: {  	s22 =	sand.u32 $0x1, s3;
	s26 =	simm.s32 $0x0;
	p1 =	por !p1, !p0  }
0xf: {  	s21 =	sadd.s32 $0x0, s5;
	p2 =	por $0x0, $0x0;
	p1 =	por !p1, !p1  }
0x10: {  	p3 =	por $0x0, $0x0;
	s20 =	simm.s32 $0x1;
	s13 =	sadd.s32 @p1 s5, s14  }
0x11: {  	_ =	strace $0x90000048;
	s15 =	sand.u32 @p1 $0x1, s8;
	s13 =	sshll.u32 @p1 s13, $0x5  }
0x12: {  	s16 =	simm.s32 @p1 $0x0;
	_ =	strace @p1 $0x80000049;
	s13 =	sand.u32 @p1 $0x1FFFFFE0, s13  }
0x13: {  	s17 =	sshll.u32 @p1 s15, $0x8;
	s15 =	sadd.s32 @p1 $0x1, s15;
	s13 =	sadd.s32 @p1 s1, s13  }
0x14: {  	[tilespmem:s17], [sflag:s15] =	stream.linear.gather @p1 [hbm4b:s13+s16], $0x100, $0x200038;
	[tilespmem:$0x8200] =	vst v63  }
0x15: {  	p6 =	por $0x1, $0x1;
	s28 =	simm.s32 $0x1;
	_ =	strace @p1 $0x90000049  }
0x16: {  	s25 =	sadd.s32 $0x1, s22;
	s18 =	sshll.u32 s22, $0xE;
	_ =	strace $0x8000004A  }
0x17: {  	s20 =	simm.s32 @!p3 $0x0;
	s23 =	sor.u32 $0x200, s18;
	_ =	swait.ge [sflag:s25], $0x100  }
0x18: {  	s18 =	sor.u32 $0x2200, s18;
	s19 =	sadd.s32 $0x1, s14;
	[sflag:s25] =	ssyncset.done $0x0  }
0x19: {  	p4 =	por p2, p0;
	p0 =	seq.s32 s19, $0x19;
	[sflag:s25] =	ssyncadd.s32 $0xFFFFFF00  }
0x1a: {  	s19 =	simm.s32 @p0 $0x0;
	s29 =	simm.s32 @p4 $0x80;
	_ =	strace $0x9000004A  }
0x1b: {  	s28 =	simm.s32 @!p4 $0x0;
	s15 =	sand.u32 $0x100, s26;
	_ =	strace $0x8000004B  }
0x1c: {  	[tilespmem:s23], [sflag:$0x5] =	stream.indirect.gather [hbm4b:s4+s9], $0x40, s15, s9, $0x2000b8;
	[tilespmem:$0x8200] =	vst v63  }
0x1d: {  	s31 =	sshll.u32 @p4 s21, $0xC;
	p0 =	sne.s32 s14, s19;
	_ =	swait.ge [sflag:s10], $0x2000  }
0x1e: {  	s21 =	simm.s32 $0x0;
	p2 =	por !p6, !p0;
	[sflag:s10] =	ssyncset.done $0x0  }
0x1f: {  	p2 =	por !p2, !p2;
	s15 =	sor.u32 $0x80, s15;
	[sflag:s10] =	ssyncadd.s32 $0xFFFFE000  }
0x20: {  	[tilespmem:s18], [sflag:$0x5] =	stream.indirect.gather [hbm4b:s4+s9], $0x40, s15, s9, $0x2000b8;
	[tilespmem:$0x8200] =	vst v63  }
0x21: {  	s24 =	sadd.s32 @p2 s5, s19;
	s17 =	simm.s32 $0x1;
	_ =	swait.ge [sflag:s10], $0x2000  }
0x22: {  	s13 =	simm.s32 $0x18;
	s17 =	simm.s32 @!p1 $0x0;
	[sflag:s10] =	ssyncset.done $0x0  }
0x23: {  	s16 =	simm.s32 $0x17;
	s17 =	sadd.s32 $0x1, s17;
	[sflag:s10] =	ssyncadd.s32 $0xFFFFE000  }
0x24: {  	p1 =	por $0x1, $0x1;
	s26 =	sand.u32 @p2 $0x1, s17;
	_ =	strace $0x9000004B  }
0x25: {  	s15 =	sand.u32 @!p1 $0x1, s3;
	s18 =	simm.s32 $0x0;
	_ =	strace @p4 $0x8000004C  }
0x26: {  	s25 =	sadd.s32 @!p1 $0x3, s15;
	s15 =	simm.s32 $0x0;
	s30 =	rddreg [dreg:$0x3]  }
.LBB2_2:
0x27: {  	s0 =	sshll.u32 @p2 s24, $0x5;
	s22 =	sadd.s32 @p4 $0x3, s22  }
0x28: {  	s31 =	sand.u32 @p4 $0x1FFFF000, s31;
	s24 =	smov.u32 s13;
	s13 =	smov.u32 s16  }
0x29: {  	s2 =	smov.u32 s14;
	s14 =	sadd.s32 @p4 s30, s31;
	s30 =	simm.s32 @p4 $0x40  }
0x2a: {  	[hbm4b:s14+s30] =	stream.strided.scatter @p4 [tilespmem:s23], [sflag:s22], $0x4000, s29, s30, $0x200038;
	[tilespmem:$0x8200] =	vst v63  }
0x2b: {  	s18 =	sadd.s32 s28, s18;
	s21 =	sadd.s32 s28, s21;
	_ =	strace @p4 $0x9000004C  }
0x2c: {  	s16 =	sadd.s32 $0xFFFFFFFF, s16;
	s15 =	sadd.s32 s20, s15;
	_ =	strace @!p1 $0x8000004D  }
0x2d: {  	s20 =	simm.s32 @p2 $0x0;
	s0 =	sand.u32 @p2 $0x1FFFFFE0, s0;
	_ =	swait.ge @!p1 [sflag:s25], $0x4000  }
0x2e: {  	s28 =	sshll.u32 s21, $0x8;
	p3 =	sne.s32 s16, $0x0;
	[sflag:s25] =	ssyncset.done @!p1 $0x0  }
0x2f: {  	s2 =	sadd.s32 s5, s2;
	p5 =	sne.s32 s24, $0x19;
	[sflag:s25] =	ssyncadd.s32 @!p1 $0xFFFFC000  }
0x30: {  	p6 =	sne.s32 s13, $0x1;
	s0 =	sadd.s32 @p2 s1, s0;
	_ =	strace @!p1 $0x9000004D  }
0x31: {  	s23 =	sshll.u32 @p2 s26, $0x8;
	s25 =	sadd.s32 @p2 $0x1, s26;
	_ =	strace @p2 $0x80000049  }
0x32: {  	[tilespmem:s23], [sflag:s25] =	stream.linear.gather @p2 [hbm4b:s0+s20], $0x100, $0x200038;
	[tilespmem:$0x8200] =	vst v63  }
0x33: {  	s14 =	simm.s32 $0x1;
	s22 =	sand.u32 $0x1, s21;
	_ =	strace @p2 $0x90000049  }
0x34: {  	s14 =	simm.s32 @!p2 $0x0;
	s23 =	sadd.s32 $0x1, s22;
	_ =	strace $0x8000004A  }
0x35: {  	p4 =	seq.s32 s24, $0x1;
	s17 =	sadd.s32 s14, s17;
	_ =	swait.ge [sflag:s23], $0x100  }
0x36: {  	s14 =	smov.u32 s19;
	s19 =	sadd.s32 $0x1, s19;
	[sflag:s23] =	ssyncset.done $0x0  }
0x37: {  	p4 =	por p4, p0;
	s22 =	sand.u32 $0x1, s18;
	[sflag:s23] =	ssyncadd.s32 $0xFFFFFF00  }
0x38: {  	p0 =	seq.s32 s19, $0x19;
	s25 =	sshll.u32 s22, $0xE;
	_ =	strace $0x9000004A  }
0x39: {  	s26 =	sand.u32 $0x100, s28;
	s23 =	sor.u32 $0x200, s25;
	_ =	strace $0x8000004B  }
0x3a: {  	[tilespmem:s23], [sflag:$0x5] =	stream.indirect.gather [hbm4b:s4+s9], $0x40, s26, s9, $0x2000b8;
	[tilespmem:$0x8200] =	vst v63  }
0x3b: {  	s29 =	simm.s32 @p4 $0x80;
	s19 =	simm.s32 @p0 $0x0;
	_ =	swait.ge [sflag:s10], $0x2000  }
0x3c: {  	s31 =	sshll.u32 @p4 s2, $0xC;
	p0 =	sne.s32 s14, s19;
	[sflag:s10] =	ssyncset.done $0x0  }
0x3d: {  	s20 =	sor.u32 $0x80, s26;
	s0 =	sor.u32 $0x2200, s25;
	[sflag:s10] =	ssyncadd.s32 $0xFFFFE000  }
0x3e: {  	[tilespmem:s0], [sflag:$0x5] =	stream.indirect.gather [hbm4b:s4+s9], $0x40, s20, s9, $0x2000b8;
	[tilespmem:$0x8200] =	vst v63  }
0x3f: {  	s28 =	simm.s32 $0x1;
	p1 =	seq.s32 s24, $0x19;
	_ =	swait.ge [sflag:s10], $0x2000  }
.Ltmp0:
0x40: {  	p2 =	por !p6, !p0;
	[sflag:s10] =	ssyncset.done $0x0;
	(pc) =	sbr.rel @p3 .LBB2_2-.Ltmp0, $4  }
0x41: {  	s28 =	simm.s32 @!p4 $0x0;
	p2 =	por !p2, !p2;
	[sflag:s10] =	ssyncadd.s32 $0xFFFFE000  }
0x42: {  	s24 =	sadd.s32 @p2 s5, s19;
	s26 =	sand.u32 @p2 $0x1, s17;
	_ =	strace $0x9000004B  }
0x43: {  	s20 =	simm.s32 $0x1;
	s0 =	sand.u32 @!p1 $0x1, s15;
	_ =	strace @p4 $0x8000004C  }
0x44: {  	s20 =	simm.s32 @!p5 $0x0;
	s25 =	sadd.s32 @!p1 $0x3, s0;
	s30 =	rddreg [dreg:$0x3]  }
0x45: {  	s0 =	sand.u32 @p4 $0x1FFFF000, s31  }
0x46: {  	s2 =	sadd.s32 @p4 $0x3, s22;
	s16 =	simm.s32 @p4 $0x40;
	s0 =	sadd.s32 @p4 s30, s0  }
0x47: {  	[hbm4b:s0+s16] =	stream.strided.scatter @p4 [tilespmem:s23], [sflag:s2], $0x4000, s29, s16, $0x200038;
	[tilespmem:$0x8200] =	vst v63  }
0x48: {  	_ =	strace @p4 $0x9000004C  }
0x49: {  	_ =	strace @!p1 $0x8000004D  }
0x4a: {  	_ =	swait.ge @!p1 [sflag:s25], $0x4000  }
0x4b: {  	s17 =	sshll.u32 @p2 s26, $0x8;
	[sflag:s25] =	ssyncset.done @!p1 $0x0  }
0x4c: {  	s19 =	sadd.s32 @p2 $0x1, s26;
	s0 =	sshll.u32 @p2 s24, $0x5;
	[sflag:s25] =	ssyncadd.s32 @!p1 $0xFFFFC000  }
0x4d: {  	s29 =	sadd.s32 s28, s21;
	s0 =	sand.u32 @p2 $0x1FFFFFE0, s0;
	_ =	strace @!p1 $0x9000004D  }
0x4e: {  	s16 =	simm.s32 @p2 $0x0;
	s0 =	sadd.s32 @p2 s1, s0;
	_ =	strace @p2 $0x80000049  }
0x4f: {  	[tilespmem:s17], [sflag:s19] =	stream.linear.gather @p2 [hbm4b:s0+s16], $0x100, $0x200038;
	[tilespmem:$0x8200] =	vst v63  }
0x50: {  	s30 =	sand.u32 $0x1, s29;
	_ =	strace @p2 $0x90000049  }
0x51: {  	s0 =	sadd.s32 $0x1, s30;
	_ =	strace $0x8000004A  }
0x52: {  	_ =	swait.ge [sflag:s0], $0x100  }
0x53: {  	s31 =	sadd.s32 s28, s18;
	[sflag:s0] =	ssyncset.done $0x0  }
0x54: {  	[sflag:s0] =	ssyncadd.s32 $0xFFFFFF00;
	s0 =	sand.u32 $0x1, s31  }
0x55: {  	s2 =	sshll.u32 s29, $0x8;
	_ =	strace $0x9000004A;
	s16 =	sshll.u32 s0, $0xE  }
0x56: {  	s2 =	sand.u32 $0x100, s2;
	_ =	strace $0x8000004B;
	s17 =	sor.u32 $0x200, s16  }
0x57: {  	[tilespmem:s17], [sflag:$0x5] =	stream.indirect.gather [hbm4b:s4+s9], $0x40, s2, s9, $0x2000b8;
	[tilespmem:$0x8200] =	vst v63  }
0x58: {  	_ =	swait.ge [sflag:s10], $0x2000  }
0x59: {  	[sflag:s10] =	ssyncset.done $0x0  }
0x5a: {  	s16 =	sor.u32 $0x2200, s16;
	s2 =	sor.u32 $0x80, s2;
	[sflag:s10] =	ssyncadd.s32 $0xFFFFE000  }
0x5b: {  	[tilespmem:s16], [sflag:$0x5] =	stream.indirect.gather [hbm4b:s4+s9], $0x40, s2, s9, $0x2000b8;
	[tilespmem:$0x8200] =	vst v63  }
0x5c: {  	_ =	swait.ge [sflag:s10], $0x2000  }
0x5d: {  	[sflag:s10] =	ssyncset.done $0x0  }
0x5e: {  	p6 =	seq.s32 s13, $0x1;
	s15 =	sadd.s32 s20, s15;
	[sflag:s10] =	ssyncadd.s32 $0xFFFFE000  }
0x5f: {  	p0 =	por p6, p0;
	s2 =	sadd.s32 s5, s14;
	_ =	strace $0x9000004B  }
0x60: {  	p1 =	seq.s32 s13, $0x19;
	s2 =	sshll.u32 @p0 s2, $0xC;
	_ =	strace @p0 $0x8000004C  }
0x61: {  	s13 =	simm.s32 @p0 $0x80;
	s2 =	sand.u32 @p0 $0x1FFFF000, s2;
	s14 =	rddreg [dreg:$0x3]  }
0x62: {  	s0 =	sadd.s32 @p0 $0x3, s0;
	s2 =	sadd.s32 @p0 s14, s2;
	s14 =	simm.s32 @p0 $0x40  }
0x63: {  	[hbm4b:s2+s14] =	stream.strided.scatter @p0 [tilespmem:s17], [sflag:s0], $0x4000, s13, s14, $0x200038;
	[tilespmem:$0x8200] =	vst v63  }
0x64: {  	s0 =	sand.u32 @!p1 $0x1, s15;
	_ =	strace @p0 $0x9000004C  }
0x65: {  	s0 =	sadd.s32 @!p1 $0x3, s0;
	_ =	strace @!p1 $0x8000004D  }
0x66: {  	_ =	swait.ge @!p1 [sflag:s0], $0x4000  }
0x67: {  	[sflag:s0] =	ssyncset.done @!p1 $0x0  }
0x68: {  	s12 =	sadd.s32 $0x1, s12;
	[sflag:s0] =	ssyncadd.s32 @!p1 $0xFFFFC000  }
0x69: {  	p0 =	sne.s32 s12, s7;
	_ =	strace @!p1 $0x9000004D  }
.Ltmp1:
0x6a: {  	_ =	strace $0x8000004E;
	(pc) =	sbr.rel @p0 .LBB2_1-.Ltmp1, $4  }
0x6b: {  	_ =	swait.ge [sflag:s11], $0x4000  }
0x6c: {  	[sflag:s11] =	ssyncset.done $0x0  }
0x6d: {  	[sflag:s11] =	ssyncadd.s32 $0xFFFFC000  }
0x6e: {  	_ =	strace $0x9000004E  }
0x6f: {  	_ =	sfence.sel $0x180000  }
0x70: {  	[bflag:$0x0] =	sbarrier.arrive $0xFFFF  }
0x71: {  	_ =	strace $0x90000047  }
0x72: {  	s0 =	stileid.u32;
	[bflag:$0x2] =	sbarrier.arrive $0xFFFF  }
0x73: {  	p0 =	sne.s32 s0, $0x0;
	s0 =	rddreg [dreg:$0x2]  }
0x74: {  	s0 =	sadd.s32 @!p0 $0x100000, s0  }
0x75: {  	[sflag:s0] =	ssyncadd.tile.s32 @!p0 $0x1;
	_ =	shalt  }
.Lfunc_end2:
_tile_overlayer_lowered:
.L_overlay_start_2:
0x76: {  	(tag) =	ssettag $0x2  }
0x77: {  	s0 =	rddreg [dreg:$0x0];
	s2 =	stileid.u32  }
0x78: {  	s1 =	rddreg [dreg:$0x1];
	p0 =	sne.s32 s2, $0x0  }
0x79: {  	s3 =	rddreg [dreg:$0x2];
	[bflag:$0x3] =	sbarrier.arrive $0xFFFF;
	s2 =	simm.s32 @!p0 $0x1C01  }
0x7a: {  	[timem:s3], [sflag:s2] =	dma.local @!p0 [hbm:s0], s1  }
0x7b: {  	s0 =	simm.s32 @!p0 $0x1  }
0x7c: {  	_ =	swait.ge @!p0 [sflag:s0], s1  }
0x7d: {  	s1 =	ssub.s32 @!p0 $0x0, s1;
	[sflag:s0] =	ssyncset.done @!p0 $0x0  }
0x7e: {  	[sflag:s0] =	ssyncadd.s32 @!p0 s1  }
0x7f: {  	[bflag:$0x3] =	sbarrier.arrive $0xFFFF  }
0x80: {  	_ =	shalt  }

</sc_bundles>
